<compile_context>
chip_gen: v7x
topology: tpu7x:2x2x1
jax: 0.10.2.dev20260603
libtpu: 0.0.44.dev20260713+nightly
codegen_flags: <defaults>
</compile_context>

<pallas_src>
import jax
import jax.numpy as jnp
from jax import lax
from jax.experimental import pallas as pl
from jax.experimental.pallas import tpu as pltpu
from jax.experimental.pallas import tpu_sc as plsc

_N = 1024
_D = 64
_K = 5
_L = 16
_NW = 16
_NG = _D // _L
_WPG = _NW // _NG
_RPW = _N // _WPG
_NEG = -1e30
_CONST = 15.244932570372436


def _insert6(ms, v):
    m0, m1, m2, m3, m4, m5 = ms
    h = jnp.maximum(m0, v); v = jnp.minimum(m0, v); m0 = h
    h = jnp.maximum(m1, v); v = jnp.minimum(m1, v); m1 = h
    h = jnp.maximum(m2, v); v = jnp.minimum(m2, v); m2 = h
    h = jnp.maximum(m3, v); v = jnp.minimum(m3, v); m3 = h
    h = jnp.maximum(m4, v); v = jnp.minimum(m4, v); m4 = h
    m5 = jnp.maximum(m5, v)
    return m0, m1, m2, m3, m4, m5


def _sc_body(x_hbm, out_hbm, slab, stage, ldbuf, ld2, shared, shared2):
    s = lax.axis_index("s")
    grp = s // _WPG
    blk = s % _WPG

    pltpu.sync_copy(
        x_hbm.at[pl.ds(blk * _RPW, _RPW), pl.ds(grp * _L, _L)], slab)

    unroll = 16

    def body(i, carry):
        acc, *ms = carry
        ms = tuple(ms)
        for u in range(unroll):
            v = slab[i * unroll + u, :]
            acc = acc + v
            ms = _insert6(ms, v)
        return (acc, *ms)

    z = jnp.zeros((_L,), jnp.float32)
    neg = jnp.full((_L,), _NEG)
    acc, *ms = lax.fori_loop(0, _RPW // unroll, body,
                             (z, neg, neg, neg, neg, neg, neg))

    for lev in range(6):
        stage[lev, :] = ms[lev]
    stage[6, :] = acc
    pltpu.sync_copy(stage, shared.at[s])
    plsc.subcore_barrier()

    @pl.when(blk == 0)
    def _():
        pltpu.sync_copy(shared.at[pl.ds(grp * _WPG, _WPG)], ldbuf)
        gms = (neg, neg, neg, neg, neg, neg)
        gacc = jnp.zeros((_L,), jnp.float32)
        for w in range(_WPG):
            gacc = gacc + ldbuf[w, 6, :]
            for lev in range(6):
                gms = _insert6(gms, ldbuf[w, lev, :])
        t = gms[5]
        clip = jnp.zeros((_L,), jnp.float32)
        for lev in range(6):
            clip = clip + jnp.maximum(2.0 * gms[lev] - t - 1.0, 0.0)
        sv = (2.0 * gacc - clip - jnp.float32(_N) * t
              - jnp.float32(_N) * jnp.maximum(t, 0.0))
        stage[0, :] = lax.broadcast_in_dim(jnp.sum(sv), (_L,), ())
        pltpu.sync_copy(stage.at[0], shared2.at[grp])

    plsc.subcore_barrier()

    @pl.when(s == 0)
    def _():
        pltpu.sync_copy(shared2, ld2)
        tot = ld2[0, :] + ld2[1, :] + ld2[2, :] + ld2[3, :]
        stage[0, :] = tot * (1.0 / _N) + _CONST
        pltpu.sync_copy(stage.at[0], out_hbm)


@jax.jit
def kernel(x):
    mesh = plsc.VectorSubcoreMesh(core_axis_name="c", subcore_axis_name="s",
                                  num_cores=1, num_subcores=16)
    out = pl.kernel(
        _sc_body,
        out_type=jax.ShapeDtypeStruct((_L,), jnp.float32),
        mesh=mesh,
        compiler_params=pltpu.CompilerParams(needs_layout_passes=False,
                                             use_tc_tiling_on_sc=False),
        scratch_types=[
            pltpu.VMEM((_RPW, _L), jnp.float32),
            pltpu.VMEM((7, _L), jnp.float32),
            pltpu.VMEM((_WPG, 7, _L), jnp.float32),
            pltpu.VMEM((_NG, _L), jnp.float32),
            pltpu.VMEM_SHARED((_NW, 7, _L), jnp.float32),
            pltpu.VMEM_SHARED((_NG, _L), jnp.float32),
        ],
    )(x)
    return out[0]

# --- scband reference (transcript-rebuilt; emitter-appended) ---
"""Pipeline reference for scband-knnentropy-estimator-47880295415991 (READ-ONLY COPY).

The authoritative reference and input builder live on the scoring server;
editing this copy changes nothing except your own understanding.
"""

import jax, jax.numpy as jnp
import numpy as np


def setup_inputs(seed: int = 0) -> dict:
    key = jax.random.key(seed)
    x = jax.random.uniform(key, (1024, 64), dtype=jnp.float32)
    return {"x": x}


def reference(x):
    k = 5
    d = x.shape[1]

    def row_fn(xi):
        # distances = x[i, :] - x[:, :]  (broadcast over rows)
        dists = xi[None, :] - x
        dists = jnp.sort(dists, axis=0)
        eps = 2.0 * dists[k, :]
        hi = jnp.minimum(xi + 0.5 * eps, 1.0)
        lo = jnp.maximum(xi - 0.5 * eps, 0.0)
        return hi - lo

    epsilons = jax.lax.map(row_fn, x)
    H = (-jax.scipy.special.digamma(jnp.float32(k))
         + jax.scipy.special.digamma(jnp.float32(d))
         + (d - 1) / k
         + jnp.mean(jnp.sum(epsilons, axis=1)))
    return H

if __name__ == "__main__":
    import jax
    _d = setup_inputs()
    print(jax.jit(kernel)(*tuple(_d.values())))

</pallas_src>

<mosaic_0001>
#map = affine_map<(d0, d1) -> (0, 0)>
#map1 = affine_map<(d0, d1) -> (0)>
module attributes {stable_mosaic.version = 14 : i64} {
  func.func @_sc_body(%arg0: i32, %arg1: i32, %arg2: memref<1024x64xf32, #tpu.memory_space<hbm>>, %arg3: memref<16xf32, #tpu.memory_space<hbm>>, %arg4: memref<256x16xf32, #tpu.memory_space<vmem>>, %arg5: memref<7x16xf32, #tpu.memory_space<vmem>>, %arg6: memref<4x7x16xf32, #tpu.memory_space<vmem>>, %arg7: memref<4x16xf32, #tpu.memory_space<vmem>>, %arg8: memref<16x7x16xf32, #tpu.memory_space<vmem_shared>>, %arg9: memref<4x16xf32, #tpu.memory_space<vmem_shared>>) attributes {dimension_semantics = [#tpu.dimension_semantics<core_parallel>, #tpu.dimension_semantics<subcore_parallel>], iteration_bounds = array<i64: 1, 16>, scalar_prefetch = 0 : i64, scratch_operands = 6 : i64, tpu.core_type = #tpu.core_type<sc_vector_subcore>, window_params = [{transform_indices = #map}, {transform_indices = #map1}]} {
    %jit3A = arith.constant 4 : i32
    %div3A = arith.divsi %arg1, %jit3A : i32
    %sign3A = arith.constant 0 : i32
    %sign3A_0 = arith.cmpi sgt, %arg1, %sign3A : i32
    %sign3A_1 = arith.extui %sign3A_0 : i1 to i32
    %sign3A_2 = arith.constant 0 : i32
    %sign3A_3 = arith.cmpi slt, %arg1, %sign3A_2 : i32
    %sign3A_4 = arith.extui %sign3A_3 : i1 to i32
    %sign3A_5 = arith.subi %sign3A_1, %sign3A_4 : i32
    %sign3A_6 = arith.constant 0 : i32
    %sign3A_7 = arith.cmpi sgt, %jit3A, %sign3A_6 : i32
    %sign3A_8 = arith.extui %sign3A_7 : i1 to i32
    %sign3A_9 = arith.constant 0 : i32
    %sign3A_10 = arith.cmpi slt, %jit3A, %sign3A_9 : i32
    %sign3A_11 = arith.extui %sign3A_10 : i1 to i32
    %sign3A_12 = arith.subi %sign3A_8, %sign3A_11 : i32
    %ne3A = arith.cmpi ne, %sign3A_5, %sign3A_12 : i32
    %rem3A = arith.remsi %arg1, %jit3A : i32
    %ne3A_13 = arith.constant 0 : i32
    %ne3A_14 = arith.cmpi ne, %rem3A, %ne3A_13 : i32
    %and3A = arith.andi %ne3A, %ne3A_14 : i1
    %sub3A = arith.constant 1 : i32
    %sub3A_15 = arith.subi %div3A, %sub3A : i32
    %select_n3A = arith.select %and3A, %sub3A_15, %div3A : i32
    %jit3A_16 = arith.constant 4 : i32
    %eq3A = arith.constant 0 : i32
    %eq3A_17 = arith.cmpi eq, %jit3A_16, %eq3A : i32
    %jit3A_18 = arith.constant 1 : i32
    %select_n3A_19 = arith.select %eq3A_17, %jit3A_18, %jit3A_16 : i32
    %rem3A_20 = arith.remsi %arg1, %select_n3A_19 : i32
    %ne3A_21 = arith.constant 0 : i32
    %ne3A_22 = arith.cmpi ne, %rem3A_20, %ne3A_21 : i32
    %lt3A = arith.constant 0 : i32
    %lt3A_23 = arith.cmpi slt, %rem3A_20, %lt3A : i32
    %lt3A_24 = arith.constant 0 : i32
    %lt3A_25 = arith.cmpi slt, %select_n3A_19, %lt3A_24 : i32
    %ne3A_26 = arith.xori %lt3A_23, %lt3A_25 : i1
    %and3A_27 = arith.andi %ne3A_26, %ne3A_22 : i1
    %add3A = arith.addi %rem3A_20, %select_n3A_19 : i32
    %select_n3A_28 = arith.select %and3A_27, %add3A, %rem3A_20 : i32
    %mul3A = arith.constant 256 : i32
    %mul3A_29 = arith.muli %select_n3A_28, %mul3A : i32
    %mul3A_30 = arith.constant 16 : i32
    %mul3A_31 = arith.muli %select_n3A, %mul3A_30 : i32
    "tpu.region"() ({
      %run_scoped3A = tpu.sem_alloc : memref<!tpu.dma_semaphore, #tpu.memory_space<semaphore_mem>>
      %dma_start3A = tpu.memref_slice %arg2[%mul3A_29, %mul3A_31] : memref<1024x64xf32, #tpu.memory_space<hbm>> -> memref<256x16xf32, #tpu.memory_space<hbm>>
      %dma_start3A_76 = tpu.memref_slice %arg2[%mul3A_29, %mul3A_31] : memref<1024x64xf32, #tpu.memory_space<hbm>> -> memref<256x16xf32, #tpu.memory_space<hbm>>
      tpu.enqueue_dma source(%dma_start3A_76 : memref<256x16xf32, #tpu.memory_space<hbm>>) target(%arg4 : memref<256x16xf32, #tpu.memory_space<vmem>>) target_semaphore(%run_scoped3A : memref<!tpu.dma_semaphore, #tpu.memory_space<semaphore_mem>>)
      %dma_wait3A = tpu.memref_slice %arg2[%mul3A_29, %mul3A_31] : memref<1024x64xf32, #tpu.memory_space<hbm>> -> memref<256x16xf32, #tpu.memory_space<hbm>>
      %dma_wait3A_77 = tpu.memref_slice %arg2[%mul3A_29, %mul3A_31] : memref<1024x64xf32, #tpu.memory_space<hbm>> -> memref<256x16xf32, #tpu.memory_space<hbm>>
      tpu.wait_dma2 semaphore(%run_scoped3A : memref<!tpu.dma_semaphore, #tpu.memory_space<semaphore_mem>>) src(%dma_wait3A_77 : memref<256x16xf32, #tpu.memory_space<hbm>>) dst(%arg4 : memref<256x16xf32, #tpu.memory_space<vmem>>)
      tpu.yield
    }) : () -> ()
    %broadcast_in_dim3A = arith.constant 0.000000e+00 : f32
    %broadcast_in_dim3A_32 = vector.broadcast %broadcast_in_dim3A : f32 to vector<16xf32>
    %broadcast_in_dim3A_33 = arith.constant -1.000000e+30 : f32
    %broadcast_in_dim3A_34 = vector.broadcast %broadcast_in_dim3A_33 : f32 to vector<16xf32>
    %scan3A = arith.constant 0 : i32
    %scan3A_35 = arith.constant 16 : i32
    %scan3A_36 = arith.addi %scan3A, %scan3A_35 : i32
    %scan3A_37 = arith.constant 1 : i32
    %scan3A_38:7 = scf.for %scan3A_76 = %scan3A to %scan3A_36 step %scan3A_37 iter_args(%scan3A_77 = %broadcast_in_dim3A_32, %scan3A_78 = %broadcast_in_dim3A_34, %scan3A_79 = %broadcast_in_dim3A_34, %scan3A_80 = %broadcast_in_dim3A_34, %scan3A_81 = %broadcast_in_dim3A_34, %scan3A_82 = %broadcast_in_dim3A_34, %scan3A_83 = %broadcast_in_dim3A_34) -> (vector<16xf32>, vector<16xf32>, vector<16xf32>, vector<16xf32>, vector<16xf32>, vector<16xf32>, vector<16xf32>)  : i32 {
      %mul3A_84 = arith.constant 16 : i32
      %mul3A_85 = arith.muli %scan3A_76, %mul3A_84 : i32
      %add3A_86 = arith.constant 0 : i32
      %add3A_87 = arith.addi %mul3A_85, %add3A_86 : i32
      %get3A = arith.index_cast %add3A_87 : i32 to index
      %get3A_88 = arith.constant 0 : index
      %get3A_89 = tpu.vector_load %arg4[%get3A, %get3A_88] {strides = array<i32>} : memref<256x16xf32, #tpu.memory_space<vmem>>, vector<16xf32>,
      %add3A_90 = arith.addf %scan3A_77, %get3A_89 : vector<16xf32>
      %max3A = arith.maximumf %scan3A_78, %get3A_89 : vector<16xf32>
      %min3A = arith.minimumf %scan3A_78, %get3A_89 : vector<16xf32>
      %max3A_91 = arith.maximumf %scan3A_79, %min3A : vector<16xf32>
      %min3A_92 = arith.minimumf %scan3A_79, %min3A : vector<16xf32>
      %max3A_93 = arith.maximumf %scan3A_80, %min3A_92 : vector<16xf32>
      %min3A_94 = arith.minimumf %scan3A_80, %min3A_92 : vector<16xf32>
      %max3A_95 = arith.maximumf %scan3A_81, %min3A_94 : vector<16xf32>
      %min3A_96 = arith.minimumf %scan3A_81, %min3A_94 : vector<16xf32>
      %max3A_97 = arith.maximumf %scan3A_82, %min3A_96 : vector<16xf32>
      %min3A_98 = arith.minimumf %scan3A_82, %min3A_96 : vector<16xf32>
      %max3A_99 = arith.maximumf %scan3A_83, %min3A_98 : vector<16xf32>
      %mul3A_100 = arith.constant 16 : i32
      %mul3A_101 = arith.muli %scan3A_76, %mul3A_100 : i32
      %add3A_102 = arith.constant 1 : i32
      %add3A_103 = arith.addi %mul3A_101, %add3A_102 : i32
      %get3A_104 = arith.index_cast %add3A_103 : i32 to index
      %get3A_105 = arith.constant 0 : index
      %get3A_106 = tpu.vector_load %arg4[%get3A_104, %get3A_105] {strides = array<i32>} : memref<256x16xf32, #tpu.memory_space<vmem>>, vector<16xf32>,
      %add3A_107 = arith.addf %add3A_90, %get3A_106 : vector<16xf32>
      %max3A_108 = arith.maximumf %max3A, %get3A_106 : vector<16xf32>
      %min3A_109 = arith.minimumf %max3A, %get3A_106 : vector<16xf32>
      %max3A_110 = arith.maximumf %max3A_91, %min3A_109 : vector<16xf32>
      %min3A_111 = arith.minimumf %max3A_91, %min3A_109 : vector<16xf32>
      %max3A_112 = arith.maximumf %max3A_93, %min3A_111 : vector<16xf32>
      %min3A_113 = arith.minimumf %max3A_93, %min3A_111 : vector<16xf32>
      %max3A_114 = arith.maximumf %max3A_95, %min3A_113 : vector<16xf32>
      %min3A_115 = arith.minimumf %max3A_95, %min3A_113 : vector<16xf32>
      %max3A_116 = arith.maximumf %max3A_97, %min3A_115 : vector<16xf32>
      %min3A_117 = arith.minimumf %max3A_97, %min3A_115 : vector<16xf32>
      %max3A_118 = arith.maximumf %max3A_99, %min3A_117 : vector<16xf32>
      %mul3A_119 = arith.constant 16 : i32
      %mul3A_120 = arith.muli %scan3A_76, %mul3A_119 : i32
      %add3A_121 = arith.constant 2 : i32
      %add3A_122 = arith.addi %mul3A_120, %add3A_121 : i32
      %get3A_123 = arith.index_cast %add3A_122 : i32 to index
      %get3A_124 = arith.constant 0 : index
      %get3A_125 = tpu.vector_load %arg4[%get3A_123, %get3A_124] {strides = array<i32>} : memref<256x16xf32, #tpu.memory_space<vmem>>, vector<16xf32>,
      %add3A_126 = arith.addf %add3A_107, %get3A_125 : vector<16xf32>
      %max3A_127 = arith.maximumf %max3A_108, %get3A_125 : vector<16xf32>
      %min3A_128 = arith.minimumf %max3A_108, %get3A_125 : vector<16xf32>
      %max3A_129 = arith.maximumf %max3A_110, %min3A_128 : vector<16xf32>
      %min3A_130 = arith.minimumf %max3A_110, %min3A_128 : vector<16xf32>
      %max3A_131 = arith.maximumf %max3A_112, %min3A_130 : vector<16xf32>
      %min3A_132 = arith.minimumf %max3A_112, %min3A_130 : vector<16xf32>
      %max3A_133 = arith.maximumf %max3A_114, %min3A_132 : vector<16xf32>
      %min3A_134 = arith.minimumf %max3A_114, %min3A_132 : vector<16xf32>
      %max3A_135 = arith.maximumf %max3A_116, %min3A_134 : vector<16xf32>
      %min3A_136 = arith.minimumf %max3A_116, %min3A_134 : vector<16xf32>
      %max3A_137 = arith.maximumf %max3A_118, %min3A_136 : vector<16xf32>
      %mul3A_138 = arith.constant 16 : i32
      %mul3A_139 = arith.muli %scan3A_76, %mul3A_138 : i32
      %add3A_140 = arith.constant 3 : i32
      %add3A_141 = arith.addi %mul3A_139, %add3A_140 : i32
      %get3A_142 = arith.index_cast %add3A_141 : i32 to index
      %get3A_143 = arith.constant 0 : index
      %get3A_144 = tpu.vector_load %arg4[%get3A_142, %get3A_143] {strides = array<i32>} : memref<256x16xf32, #tpu.memory_space<vmem>>, vector<16xf32>,
      %add3A_145 = arith.addf %add3A_126, %get3A_144 : vector<16xf32>
      %max3A_146 = arith.maximumf %max3A_127, %get3A_144 : vector<16xf32>
      %min3A_147 = arith.minimumf %max3A_127, %get3A_144 : vector<16xf32>
      %max3A_148 = arith.maximumf %max3A_129, %min3A_147 : vector<16xf32>
      %min3A_149 = arith.minimumf %max3A_129, %min3A_147 : vector<16xf32>
      %max3A_150 = arith.maximumf %max3A_131, %min3A_149 : vector<16xf32>
      %min3A_151 = arith.minimumf %max3A_131, %min3A_149 : vector<16xf32>
      %max3A_152 = arith.maximumf %max3A_133, %min3A_151 : vector<16xf32>
      %min3A_153 = arith.minimumf %max3A_133, %min3A_151 : vector<16xf32>
      %max3A_154 = arith.maximumf %max3A_135, %min3A_153 : vector<16xf32>
      %min3A_155 = arith.minimumf %max3A_135, %min3A_153 : vector<16xf32>
      %max3A_156 = arith.maximumf %max3A_137, %min3A_155 : vector<16xf32>
      %mul3A_157 = arith.constant 16 : i32
      %mul3A_158 = arith.muli %scan3A_76, %mul3A_157 : i32
      %add3A_159 = arith.constant 4 : i32
      %add3A_160 = arith.addi %mul3A_158, %add3A_159 : i32
      %get3A_161 = arith.index_cast %add3A_160 : i32 to index
      %get3A_162 = arith.constant 0 : index
      %get3A_163 = tpu.vector_load %arg4[%get3A_161, %get3A_162] {strides = array<i32>} : memref<256x16xf32, #tpu.memory_space<vmem>>, vector<16xf32>,
      %add3A_164 = arith.addf %add3A_145, %get3A_163 : vector<16xf32>
      %max3A_165 = arith.maximumf %max3A_146, %get3A_163 : vector<16xf32>
      %min3A_166 = arith.minimumf %max3A_146, %get3A_163 : vector<16xf32>
      %max3A_167 = arith.maximumf %max3A_148, %min3A_166 : vector<16xf32>
      %min3A_168 = arith.minimumf %max3A_148, %min3A_166 : vector<16xf32>
      %max3A_169 = arith.maximumf %max3A_150, %min3A_168 : vector<16xf32>
      %min3A_170 = arith.minimumf %max3A_150, %min3A_168 : vector<16xf32>
      %max3A_171 = arith.maximumf %max3A_152, %min3A_170 : vector<16xf32>
      %min3A_172 = arith.minimumf %max3A_152, %min3A_170 : vector<16xf32>
      %max3A_173 = arith.maximumf %max3A_154, %min3A_172 : vector<16xf32>
      %min3A_174 = arith.minimumf %max3A_154, %min3A_172 : vector<16xf32>
      %max3A_175 = arith.maximumf %max3A_156, %min3A_174 : vector<16xf32>
      %mul3A_176 = arith.constant 16 : i32
      %mul3A_177 = arith.muli %scan3A_76, %mul3A_176 : i32
      %add3A_178 = arith.constant 5 : i32
      %add3A_179 = arith.addi %mul3A_177, %add3A_178 : i32
      %get3A_180 = arith.index_cast %add3A_179 : i32 to index
      %get3A_181 = arith.constant 0 : index
      %get3A_182 = tpu.vector_load %arg4[%get3A_180, %get3A_181] {strides = array<i32>} : memref<256x16xf32, #tpu.memory_space<vmem>>, vector<16xf32>,
      %add3A_183 = arith.addf %add3A_164, %get3A_182 : vector<16xf32>
      %max3A_184 = arith.maximumf %max3A_165, %get3A_182 : vector<16xf32>
      %min3A_185 = arith.minimumf %max3A_165, %get3A_182 : vector<16xf32>
      %max3A_186 = arith.maximumf %max3A_167, %min3A_185 : vector<16xf32>
      %min3A_187 = arith.minimumf %max3A_167, %min3A_185 : vector<16xf32>
      %max3A_188 = arith.maximumf %max3A_169, %min3A_187 : vector<16xf32>
      %min3A_189 = arith.minimumf %max3A_169, %min3A_187 : vector<16xf32>
      %max3A_190 = arith.maximumf %max3A_171, %min3A_189 : vector<16xf32>
      %min3A_191 = arith.minimumf %max3A_171, %min3A_189 : vector<16xf32>
      %max3A_192 = arith.maximumf %max3A_173, %min3A_191 : vector<16xf32>
      %min3A_193 = arith.minimumf %max3A_173, %min3A_191 : vector<16xf32>
      %max3A_194 = arith.maximumf %max3A_175, %min3A_193 : vector<16xf32>
      %mul3A_195 = arith.constant 16 : i32
      %mul3A_196 = arith.muli %scan3A_76, %mul3A_195 : i32
      %add3A_197 = arith.constant 6 : i32
      %add3A_198 = arith.addi %mul3A_196, %add3A_197 : i32
      %get3A_199 = arith.index_cast %add3A_198 : i32 to index
      %get3A_200 = arith.constant 0 : index
      %get3A_201 = tpu.vector_load %arg4[%get3A_199, %get3A_200] {strides = array<i32>} : memref<256x16xf32, #tpu.memory_space<vmem>>, vector<16xf32>,
      %add3A_202 = arith.addf %add3A_183, %get3A_201 : vector<16xf32>
      %max3A_203 = arith.maximumf %max3A_184, %get3A_201 : vector<16xf32>
      %min3A_204 = arith.minimumf %max3A_184, %get3A_201 : vector<16xf32>
      %max3A_205 = arith.maximumf %max3A_186, %min3A_204 : vector<16xf32>
      %min3A_206 = arith.minimumf %max3A_186, %min3A_204 : vector<16xf32>
      %max3A_207 = arith.maximumf %max3A_188, %min3A_206 : vector<16xf32>
      %min3A_208 = arith.minimumf %max3A_188, %min3A_206 : vector<16xf32>
      %max3A_209 = arith.maximumf %max3A_190, %min3A_208 : vector<16xf32>
      %min3A_210 = arith.minimumf %max3A_190, %min3A_208 : vector<16xf32>
      %max3A_211 = arith.maximumf %max3A_192, %min3A_210 : vector<16xf32>
      %min3A_212 = arith.minimumf %max3A_192, %min3A_210 : vector<16xf32>
      %max3A_213 = arith.maximumf %max3A_194, %min3A_212 : vector<16xf32>
      %mul3A_214 = arith.constant 16 : i32
      %mul3A_215 = arith.muli %scan3A_76, %mul3A_214 : i32
      %add3A_216 = arith.constant 7 : i32
      %add3A_217 = arith.addi %mul3A_215, %add3A_216 : i32
      %get3A_218 = arith.index_cast %add3A_217 : i32 to index
      %get3A_219 = arith.constant 0 : index
      %get3A_220 = tpu.vector_load %arg4[%get3A_218, %get3A_219] {strides = array<i32>} : memref<256x16xf32, #tpu.memory_space<vmem>>, vector<16xf32>,
      %add3A_221 = arith.addf %add3A_202, %get3A_220 : vector<16xf32>
      %max3A_222 = arith.maximumf %max3A_203, %get3A_220 : vector<16xf32>
      %min3A_223 = arith.minimumf %max3A_203, %get3A_220 : vector<16xf32>
      %max3A_224 = arith.maximumf %max3A_205, %min3A_223 : vector<16xf32>
      %min3A_225 = arith.minimumf %max3A_205, %min3A_223 : vector<16xf32>
      %max3A_226 = arith.maximumf %max3A_207, %min3A_225 : vector<16xf32>
      %min3A_227 = arith.minimumf %max3A_207, %min3A_225 : vector<16xf32>
      %max3A_228 = arith.maximumf %max3A_209, %min3A_227 : vector<16xf32>
      %min3A_229 = arith.minimumf %max3A_209, %min3A_227 : vector<16xf32>
      %max3A_230 = arith.maximumf %max3A_211, %min3A_229 : vector<16xf32>
      %min3A_231 = arith.minimumf %max3A_211, %min3A_229 : vector<16xf32>
      %max3A_232 = arith.maximumf %max3A_213, %min3A_231 : vector<16xf32>
      %mul3A_233 = arith.constant 16 : i32
      %mul3A_234 = arith.muli %scan3A_76, %mul3A_233 : i32
      %add3A_235 = arith.constant 8 : i32
      %add3A_236 = arith.addi %mul3A_234, %add3A_235 : i32
      %get3A_237 = arith.index_cast %add3A_236 : i32 to index
      %get3A_238 = arith.constant 0 : index
      %get3A_239 = tpu.vector_load %arg4[%get3A_237, %get3A_238] {strides = array<i32>} : memref<256x16xf32, #tpu.memory_space<vmem>>, vector<16xf32>,
      %add3A_240 = arith.addf %add3A_221, %get3A_239 : vector<16xf32>
      %max3A_241 = arith.maximumf %max3A_222, %get3A_239 : vector<16xf32>
      %min3A_242 = arith.minimumf %max3A_222, %get3A_239 : vector<16xf32>
      %max3A_243 = arith.maximumf %max3A_224, %min3A_242 : vector<16xf32>
      %min3A_244 = arith.minimumf %max3A_224, %min3A_242 : vector<16xf32>
      %max3A_245 = arith.maximumf %max3A_226, %min3A_244 : vector<16xf32>
      %min3A_246 = arith.minimumf %max3A_226, %min3A_244 : vector<16xf32>
      %max3A_247 = arith.maximumf %max3A_228, %min3A_246 : vector<16xf32>
      %min3A_248 = arith.minimumf %max3A_228, %min3A_246 : vector<16xf32>
      %max3A_249 = arith.maximumf %max3A_230, %min3A_248 : vector<16xf32>
      %min3A_250 = arith.minimumf %max3A_230, %min3A_248 : vector<16xf32>
      %max3A_251 = arith.maximumf %max3A_232, %min3A_250 : vector<16xf32>
      %mul3A_252 = arith.constant 16 : i32
      %mul3A_253 = arith.muli %scan3A_76, %mul3A_252 : i32
      %add3A_254 = arith.constant 9 : i32
      %add3A_255 = arith.addi %mul3A_253, %add3A_254 : i32
      %get3A_256 = arith.index_cast %add3A_255 : i32 to index
      %get3A_257 = arith.constant 0 : index
      %get3A_258 = tpu.vector_load %arg4[%get3A_256, %get3A_257] {strides = array<i32>} : memref<256x16xf32, #tpu.memory_space<vmem>>, vector<16xf32>,
      %add3A_259 = arith.addf %add3A_240, %get3A_258 : vector<16xf32>
      %max3A_260 = arith.maximumf %max3A_241, %get3A_258 : vector<16xf32>
      %min3A_261 = arith.minimumf %max3A_241, %get3A_258 : vector<16xf32>
      %max3A_262 = arith.maximumf %max3A_243, %min3A_261 : vector<16xf32>
      %min3A_263 = arith.minimumf %max3A_243, %min3A_261 : vector<16xf32>
      %max3A_264 = arith.maximumf %max3A_245, %min3A_263 : vector<16xf32>
      %min3A_265 = arith.minimumf %max3A_245, %min3A_263 : vector<16xf32>
      %max3A_266 = arith.maximumf %max3A_247, %min3A_265 : vector<16xf32>
      %min3A_267 = arith.minimumf %max3A_247, %min3A_265 : vector<16xf32>
      %max3A_268 = arith.maximumf %max3A_249, %min3A_267 : vector<16xf32>
      %min3A_269 = arith.minimumf %max3A_249, %min3A_267 : vector<16xf32>
      %max3A_270 = arith.maximumf %max3A_251, %min3A_269 : vector<16xf32>
      %mul3A_271 = arith.constant 16 : i32
      %mul3A_272 = arith.muli %scan3A_76, %mul3A_271 : i32
      %add3A_273 = arith.constant 10 : i32
      %add3A_274 = arith.addi %mul3A_272, %add3A_273 : i32
      %get3A_275 = arith.index_cast %add3A_274 : i32 to index
      %get3A_276 = arith.constant 0 : index
      %get3A_277 = tpu.vector_load %arg4[%get3A_275, %get3A_276] {strides = array<i32>} : memref<256x16xf32, #tpu.memory_space<vmem>>, vector<16xf32>,
      %add3A_278 = arith.addf %add3A_259, %get3A_277 : vector<16xf32>
      %max3A_279 = arith.maximumf %max3A_260, %get3A_277 : vector<16xf32>
      %min3A_280 = arith.minimumf %max3A_260, %get3A_277 : vector<16xf32>
      %max3A_281 = arith.maximumf %max3A_262, %min3A_280 : vector<16xf32>
      %min3A_282 = arith.minimumf %max3A_262, %min3A_280 : vector<16xf32>
      %max3A_283 = arith.maximumf %max3A_264, %min3A_282 : vector<16xf32>
      %min3A_284 = arith.minimumf %max3A_264, %min3A_282 : vector<16xf32>
      %max3A_285 = arith.maximumf %max3A_266, %min3A_284 : vector<16xf32>
      %min3A_286 = arith.minimumf %max3A_266, %min3A_284 : vector<16xf32>
      %max3A_287 = arith.maximumf %max3A_268, %min3A_286 : vector<16xf32>
      %min3A_288 = arith.minimumf %max3A_268, %min3A_286 : vector<16xf32>
      %max3A_289 = arith.maximumf %max3A_270, %min3A_288 : vector<16xf32>
      %mul3A_290 = arith.constant 16 : i32
      %mul3A_291 = arith.muli %scan3A_76, %mul3A_290 : i32
      %add3A_292 = arith.constant 11 : i32
      %add3A_293 = arith.addi %mul3A_291, %add3A_292 : i32
      %get3A_294 = arith.index_cast %add3A_293 : i32 to index
      %get3A_295 = arith.constant 0 : index
      %get3A_296 = tpu.vector_load %arg4[%get3A_294, %get3A_295] {strides = array<i32>} : memref<256x16xf32, #tpu.memory_space<vmem>>, vector<16xf32>,
      %add3A_297 = arith.addf %add3A_278, %get3A_296 : vector<16xf32>
      %max3A_298 = arith.maximumf %max3A_279, %get3A_296 : vector<16xf32>
      %min3A_299 = arith.minimumf %max3A_279, %get3A_296 : vector<16xf32>
      %max3A_300 = arith.maximumf %max3A_281, %min3A_299 : vector<16xf32>
      %min3A_301 = arith.minimumf %max3A_281, %min3A_299 : vector<16xf32>
      %max3A_302 = arith.maximumf %max3A_283, %min3A_301 : vector<16xf32>
      %min3A_303 = arith.minimumf %max3A_283, %min3A_301 : vector<16xf32>
      %max3A_304 = arith.maximumf %max3A_285, %min3A_303 : vector<16xf32>
      %min3A_305 = arith.minimumf %max3A_285, %min3A_303 : vector<16xf32>
      %max3A_306 = arith.maximumf %max3A_287, %min3A_305 : vector<16xf32>
      %min3A_307 = arith.minimumf %max3A_287, %min3A_305 : vector<16xf32>
      %max3A_308 = arith.maximumf %max3A_289, %min3A_307 : vector<16xf32>
      %mul3A_309 = arith.constant 16 : i32
      %mul3A_310 = arith.muli %scan3A_76, %mul3A_309 : i32
      %add3A_311 = arith.constant 12 : i32
      %add3A_312 = arith.addi %mul3A_310, %add3A_311 : i32
      %get3A_313 = arith.index_cast %add3A_312 : i32 to index
      %get3A_314 = arith.constant 0 : index
      %get3A_315 = tpu.vector_load %arg4[%get3A_313, %get3A_314] {strides = array<i32>} : memref<256x16xf32, #tpu.memory_space<vmem>>, vector<16xf32>,
      %add3A_316 = arith.addf %add3A_297, %get3A_315 : vector<16xf32>
      %max3A_317 = arith.maximumf %max3A_298, %get3A_315 : vector<16xf32>
      %min3A_318 = arith.minimumf %max3A_298, %get3A_315 : vector<16xf32>
      %max3A_319 = arith.maximumf %max3A_300, %min3A_318 : vector<16xf32>
      %min3A_320 = arith.minimumf %max3A_300, %min3A_318 : vector<16xf32>
      %max3A_321 = arith.maximumf %max3A_302, %min3A_320 : vector<16xf32>
      %min3A_322 = arith.minimumf %max3A_302, %min3A_320 : vector<16xf32>
      %max3A_323 = arith.maximumf %max3A_304, %min3A_322 : vector<16xf32>
      %min3A_324 = arith.minimumf %max3A_304, %min3A_322 : vector<16xf32>
      %max3A_325 = arith.maximumf %max3A_306, %min3A_324 : vector<16xf32>
      %min3A_326 = arith.minimumf %max3A_306, %min3A_324 : vector<16xf32>
      %max3A_327 = arith.maximumf %max3A_308, %min3A_326 : vector<16xf32>
      %mul3A_328 = arith.constant 16 : i32
      %mul3A_329 = arith.muli %scan3A_76, %mul3A_328 : i32
      %add3A_330 = arith.constant 13 : i32
      %add3A_331 = arith.addi %mul3A_329, %add3A_330 : i32
      %get3A_332 = arith.index_cast %add3A_331 : i32 to index
      %get3A_333 = arith.constant 0 : index
      %get3A_334 = tpu.vector_load %arg4[%get3A_332, %get3A_333] {strides = array<i32>} : memref<256x16xf32, #tpu.memory_space<vmem>>, vector<16xf32>,
      %add3A_335 = arith.addf %add3A_316, %get3A_334 : vector<16xf32>
      %max3A_336 = arith.maximumf %max3A_317, %get3A_334 : vector<16xf32>
      %min3A_337 = arith.minimumf %max3A_317, %get3A_334 : vector<16xf32>
      %max3A_338 = arith.maximumf %max3A_319, %min3A_337 : vector<16xf32>
      %min3A_339 = arith.minimumf %max3A_319, %min3A_337 : vector<16xf32>
      %max3A_340 = arith.maximumf %max3A_321, %min3A_339 : vector<16xf32>
      %min3A_341 = arith.minimumf %max3A_321, %min3A_339 : vector<16xf32>
      %max3A_342 = arith.maximumf %max3A_323, %min3A_341 : vector<16xf32>
      %min3A_343 = arith.minimumf %max3A_323, %min3A_341 : vector<16xf32>
      %max3A_344 = arith.maximumf %max3A_325, %min3A_343 : vector<16xf32>
      %min3A_345 = arith.minimumf %max3A_325, %min3A_343 : vector<16xf32>
      %max3A_346 = arith.maximumf %max3A_327, %min3A_345 : vector<16xf32>
      %mul3A_347 = arith.constant 16 : i32
      %mul3A_348 = arith.muli %scan3A_76, %mul3A_347 : i32
      %add3A_349 = arith.constant 14 : i32
      %add3A_350 = arith.addi %mul3A_348, %add3A_349 : i32
      %get3A_351 = arith.index_cast %add3A_350 : i32 to index
      %get3A_352 = arith.constant 0 : index
      %get3A_353 = tpu.vector_load %arg4[%get3A_351, %get3A_352] {strides = array<i32>} : memref<256x16xf32, #tpu.memory_space<vmem>>, vector<16xf32>,
      %add3A_354 = arith.addf %add3A_335, %get3A_353 : vector<16xf32>
      %max3A_355 = arith.maximumf %max3A_336, %get3A_353 : vector<16xf32>
      %min3A_356 = arith.minimumf %max3A_336, %get3A_353 : vector<16xf32>
      %max3A_357 = arith.maximumf %max3A_338, %min3A_356 : vector<16xf32>
      %min3A_358 = arith.minimumf %max3A_338, %min3A_356 : vector<16xf32>
      %max3A_359 = arith.maximumf %max3A_340, %min3A_358 : vector<16xf32>
      %min3A_360 = arith.minimumf %max3A_340, %min3A_358 : vector<16xf32>
      %max3A_361 = arith.maximumf %max3A_342, %min3A_360 : vector<16xf32>
      %min3A_362 = arith.minimumf %max3A_342, %min3A_360 : vector<16xf32>
      %max3A_363 = arith.maximumf %max3A_344, %min3A_362 : vector<16xf32>
      %min3A_364 = arith.minimumf %max3A_344, %min3A_362 : vector<16xf32>
      %max3A_365 = arith.maximumf %max3A_346, %min3A_364 : vector<16xf32>
      %mul3A_366 = arith.constant 16 : i32
      %mul3A_367 = arith.muli %scan3A_76, %mul3A_366 : i32
      %add3A_368 = arith.constant 15 : i32
      %add3A_369 = arith.addi %mul3A_367, %add3A_368 : i32
      %get3A_370 = arith.index_cast %add3A_369 : i32 to index
      %get3A_371 = arith.constant 0 : index
      %get3A_372 = tpu.vector_load %arg4[%get3A_370, %get3A_371] {strides = array<i32>} : memref<256x16xf32, #tpu.memory_space<vmem>>, vector<16xf32>,
      %add3A_373 = arith.addf %add3A_354, %get3A_372 : vector<16xf32>
      %max3A_374 = arith.maximumf %max3A_355, %get3A_372 : vector<16xf32>
      %min3A_375 = arith.minimumf %max3A_355, %get3A_372 : vector<16xf32>
      %max3A_376 = arith.maximumf %max3A_357, %min3A_375 : vector<16xf32>
      %min3A_377 = arith.minimumf %max3A_357, %min3A_375 : vector<16xf32>
      %max3A_378 = arith.maximumf %max3A_359, %min3A_377 : vector<16xf32>
      %min3A_379 = arith.minimumf %max3A_359, %min3A_377 : vector<16xf32>
      %max3A_380 = arith.maximumf %max3A_361, %min3A_379 : vector<16xf32>
      %min3A_381 = arith.minimumf %max3A_361, %min3A_379 : vector<16xf32>
      %max3A_382 = arith.maximumf %max3A_363, %min3A_381 : vector<16xf32>
      %min3A_383 = arith.minimumf %max3A_363, %min3A_381 : vector<16xf32>
      %max3A_384 = arith.maximumf %max3A_365, %min3A_383 : vector<16xf32>
      scf.yield %add3A_373, %max3A_374, %max3A_376, %max3A_378, %max3A_380, %max3A_382, %max3A_384 : vector<16xf32>, vector<16xf32>, vector<16xf32>, vector<16xf32>, vector<16xf32>, vector<16xf32>, vector<16xf32>
    }
    %scan3A_39 = arith.constant 16 : i32
    %swap3A = arith.constant 0 : i32
    %swap3A_40 = arith.index_cast %swap3A : i32 to index
    %swap3A_41 = arith.constant 0 : index
    %swap3A_42 = tpu.vector_load %arg5[%swap3A_40, %swap3A_41] {strides = array<i32>} : memref<7x16xf32, #tpu.memory_space<vmem>>, vector<16xf32>,
    tpu.vector_store %arg5[%swap3A_40, %swap3A_41], %scan3A_38#1 {strides = array<i32>} : memref<7x16xf32, #tpu.memory_space<vmem>>, vector<16xf32>,
    %swap3A_43 = arith.constant 1 : i32
    %swap3A_44 = arith.index_cast %swap3A_43 : i32 to index
    %swap3A_45 = arith.constant 0 : index
    %swap3A_46 = tpu.vector_load %arg5[%swap3A_44, %swap3A_45] {strides = array<i32>} : memref<7x16xf32, #tpu.memory_space<vmem>>, vector<16xf32>,
    tpu.vector_store %arg5[%swap3A_44, %swap3A_45], %scan3A_38#2 {strides = array<i32>} : memref<7x16xf32, #tpu.memory_space<vmem>>, vector<16xf32>,
    %swap3A_47 = arith.constant 2 : i32
    %swap3A_48 = arith.index_cast %swap3A_47 : i32 to index
    %swap3A_49 = arith.constant 0 : index
    %swap3A_50 = tpu.vector_load %arg5[%swap3A_48, %swap3A_49] {strides = array<i32>} : memref<7x16xf32, #tpu.memory_space<vmem>>, vector<16xf32>,
    tpu.vector_store %arg5[%swap3A_48, %swap3A_49], %scan3A_38#3 {strides = array<i32>} : memref<7x16xf32, #tpu.memory_space<vmem>>, vector<16xf32>,
    %swap3A_51 = arith.constant 3 : i32
    %swap3A_52 = arith.index_cast %swap3A_51 : i32 to index
    %swap3A_53 = arith.constant 0 : index
    %swap3A_54 = tpu.vector_load %arg5[%swap3A_52, %swap3A_53] {strides = array<i32>} : memref<7x16xf32, #tpu.memory_space<vmem>>, vector<16xf32>,
    tpu.vector_store %arg5[%swap3A_52, %swap3A_53], %scan3A_38#4 {strides = array<i32>} : memref<7x16xf32, #tpu.memory_space<vmem>>, vector<16xf32>,
    %swap3A_55 = arith.constant 4 : i32
    %swap3A_56 = arith.index_cast %swap3A_55 : i32 to index
    %swap3A_57 = arith.constant 0 : index
    %swap3A_58 = tpu.vector_load %arg5[%swap3A_56, %swap3A_57] {strides = array<i32>} : memref<7x16xf32, #tpu.memory_space<vmem>>, vector<16xf32>,
    tpu.vector_store %arg5[%swap3A_56, %swap3A_57], %scan3A_38#5 {strides = array<i32>} : memref<7x16xf32, #tpu.memory_space<vmem>>, vector<16xf32>,
    %swap3A_59 = arith.constant 5 : i32
    %swap3A_60 = arith.index_cast %swap3A_59 : i32 to index
    %swap3A_61 = arith.constant 0 : index
    %swap3A_62 = tpu.vector_load %arg5[%swap3A_60, %swap3A_61] {strides = array<i32>} : memref<7x16xf32, #tpu.memory_space<vmem>>, vector<16xf32>,
    tpu.vector_store %arg5[%swap3A_60, %swap3A_61], %scan3A_38#6 {strides = array<i32>} : memref<7x16xf32, #tpu.memory_space<vmem>>, vector<16xf32>,
    %swap3A_63 = arith.constant 6 : i32
    %swap3A_64 = arith.index_cast %swap3A_63 : i32 to index
    %swap3A_65 = arith.constant 0 : index
    %swap3A_66 = tpu.vector_load %arg5[%swap3A_64, %swap3A_65] {strides = array<i32>} : memref<7x16xf32, #tpu.memory_space<vmem>>, vector<16xf32>,
    tpu.vector_store %arg5[%swap3A_64, %swap3A_65], %scan3A_38#0 {strides = array<i32>} : memref<7x16xf32, #tpu.memory_space<vmem>>, vector<16xf32>,
    "tpu.region"() ({
      %run_scoped3A = tpu.sem_alloc : memref<!tpu.dma_semaphore, #tpu.memory_space<semaphore_mem>>
      %dma_start3A = arith.constant 0 : i32
      %dma_start3A_76 = arith.constant 0 : i32
      %dma_start3A_77 = tpu.memref_slice %arg8[%arg1, %dma_start3A, %dma_start3A_76] : memref<16x7x16xf32, #tpu.memory_space<vmem_shared>> -> memref<1x7x16xf32, #tpu.memory_space<vmem_shared>>
      %dma_start3A_78 = tpu.memref_squeeze %dma_start3A_77 : memref<1x7x16xf32, #tpu.memory_space<vmem_shared>> -> memref<7x16xf32, #tpu.memory_space<vmem_shared>>
      %dma_start3A_79 = arith.constant 0 : i32
      %dma_start3A_80 = arith.constant 0 : i32
      %dma_start3A_81 = tpu.memref_slice %arg8[%arg1, %dma_start3A_79, %dma_start3A_80] : memref<16x7x16xf32, #tpu.memory_space<vmem_shared>> -> memref<1x7x16xf32, #tpu.memory_space<vmem_shared>>
      %dma_start3A_82 = tpu.memref_squeeze %dma_start3A_81 : memref<1x7x16xf32, #tpu.memory_space<vmem_shared>> -> memref<7x16xf32, #tpu.memory_space<vmem_shared>>
      tpu.enqueue_dma source(%arg5 : memref<7x16xf32, #tpu.memory_space<vmem>>) target(%dma_start3A_82 : memref<7x16xf32, #tpu.memory_space<vmem_shared>>) target_semaphore(%run_scoped3A : memref<!tpu.dma_semaphore, #tpu.memory_space<semaphore_mem>>)
      %dma_wait3A = arith.constant 0 : i32
      %dma_wait3A_83 = arith.constant 0 : i32
      %dma_wait3A_84 = tpu.memref_slice %arg8[%arg1, %dma_wait3A, %dma_wait3A_83] : memref<16x7x16xf32, #tpu.memory_space<vmem_shared>> -> memref<1x7x16xf32, #tpu.memory_space<vmem_shared>>
      %dma_wait3A_85 = tpu.memref_squeeze %dma_wait3A_84 : memref<1x7x16xf32, #tpu.memory_space<vmem_shared>> -> memref<7x16xf32, #tpu.memory_space<vmem_shared>>
      %dma_wait3A_86 = arith.constant 0 : i32
      %dma_wait3A_87 = arith.constant 0 : i32
      %dma_wait3A_88 = tpu.memref_slice %arg8[%arg1, %dma_wait3A_86, %dma_wait3A_87] : memref<16x7x16xf32, #tpu.memory_space<vmem_shared>> -> memref<1x7x16xf32, #tpu.memory_space<vmem_shared>>
      %dma_wait3A_89 = tpu.memref_squeeze %dma_wait3A_88 : memref<1x7x16xf32, #tpu.memory_space<vmem_shared>> -> memref<7x16xf32, #tpu.memory_space<vmem_shared>>
      tpu.wait_dma2 semaphore(%run_scoped3A : memref<!tpu.dma_semaphore, #tpu.memory_space<semaphore_mem>>) src(%arg5 : memref<7x16xf32, #tpu.memory_space<vmem>>) dst(%dma_wait3A_89 : memref<7x16xf32, #tpu.memory_space<vmem_shared>>)
      tpu.yield
    }) : () -> ()
    %barrier3A = arith.constant 0 : index
    tpu.barrier barrier_id(%barrier3A)
    %eq3A_67 = arith.constant 0 : i32
    %eq3A_68 = arith.cmpi eq, %select_n3A_28, %eq3A_67 : i32
    %convert_element_type3A = arith.extui %eq3A_68 : i1 to i32
    %cond3A = arith.constant 0 : i32
    %cond3A_69 = arith.cmpi ne, %convert_element_type3A, %cond3A : i32
    scf.if %cond3A_69 {
      %mul3A_76 = arith.constant 4 : i32
      %mul3A_77 = arith.muli %select_n3A, %mul3A_76 : i32
      "tpu.region"() ({
        %run_scoped3A_604 = tpu.sem_alloc : memref<!tpu.dma_semaphore, #tpu.memory_space<semaphore_mem>>
        %dma_start3A = arith.constant 0 : i32
        %dma_start3A_605 = arith.constant 0 : i32
        %dma_start3A_606 = tpu.memref_slice %arg8[%mul3A_77, %dma_start3A, %dma_start3A_605] : memref<16x7x16xf32, #tpu.memory_space<vmem_shared>> -> memref<4x7x16xf32, #tpu.memory_space<vmem_shared>>
        %dma_start3A_607 = arith.constant 0 : i32
        %dma_start3A_608 = arith.constant 0 : i32
        %dma_start3A_609 = tpu.memref_slice %arg8[%mul3A_77, %dma_start3A_607, %dma_start3A_608] : memref<16x7x16xf32, #tpu.memory_space<vmem_shared>> -> memref<4x7x16xf32, #tpu.memory_space<vmem_shared>>
        tpu.enqueue_dma source(%dma_start3A_609 : memref<4x7x16xf32, #tpu.memory_space<vmem_shared>>) target(%arg6 : memref<4x7x16xf32, #tpu.memory_space<vmem>>) target_semaphore(%run_scoped3A_604 : memref<!tpu.dma_semaphore, #tpu.memory_space<semaphore_mem>>)
        %dma_wait3A = arith.constant 0 : i32
        %dma_wait3A_610 = arith.constant 0 : i32
        %dma_wait3A_611 = tpu.memref_slice %arg8[%mul3A_77, %dma_wait3A, %dma_wait3A_610] : memref<16x7x16xf32, #tpu.memory_space<vmem_shared>> -> memref<4x7x16xf32, #tpu.memory_space<vmem_shared>>
        %dma_wait3A_612 = arith.constant 0 : i32
        %dma_wait3A_613 = arith.constant 0 : i32
        %dma_wait3A_614 = tpu.memref_slice %arg8[%mul3A_77, %dma_wait3A_612, %dma_wait3A_613] : memref<16x7x16xf32, #tpu.memory_space<vmem_shared>> -> memref<4x7x16xf32, #tpu.memory_space<vmem_shared>>
        tpu.wait_dma2 semaphore(%run_scoped3A_604 : memref<!tpu.dma_semaphore, #tpu.memory_space<semaphore_mem>>) src(%dma_wait3A_614 : memref<4x7x16xf32, #tpu.memory_space<vmem_shared>>) dst(%arg6 : memref<4x7x16xf32, #tpu.memory_space<vmem>>)
        tpu.yield
      }) : () -> ()
      %broadcast_in_dim3A_78 = arith.constant 0.000000e+00 : f32
      %broadcast_in_dim3A_79 = vector.broadcast %broadcast_in_dim3A_78 : f32 to vector<16xf32>
      %get3A = arith.constant 0 : i32
      %get3A_80 = arith.constant 6 : i32
      %get3A_81 = arith.index_cast %get3A : i32 to index
      %get3A_82 = arith.index_cast %get3A_80 : i32 to index
      %get3A_83 = arith.constant 0 : index
      %get3A_84 = tpu.vector_load %arg6[%get3A_81, %get3A_82, %get3A_83] {strides = array<i32>} : memref<4x7x16xf32, #tpu.memory_space<vmem>>, vector<16xf32>,
      %add3A_85 = arith.addf %broadcast_in_dim3A_79, %get3A_84 : vector<16xf32>
      %get3A_86 = arith.constant 0 : i32
      %get3A_87 = arith.constant 0 : i32
      %get3A_88 = arith.index_cast %get3A_86 : i32 to index
      %get3A_89 = arith.index_cast %get3A_87 : i32 to index
      %get3A_90 = arith.constant 0 : index
      %get3A_91 = tpu.vector_load %arg6[%get3A_88, %get3A_89, %get3A_90] {strides = array<i32>} : memref<4x7x16xf32, #tpu.memory_space<vmem>>, vector<16xf32>,
      %max3A = arith.maximumf %broadcast_in_dim3A_34, %get3A_91 : vector<16xf32>
      %min3A = arith.minimumf %broadcast_in_dim3A_34, %get3A_91 : vector<16xf32>
      %max3A_92 = arith.maximumf %broadcast_in_dim3A_34, %min3A : vector<16xf32>
      %min3A_93 = arith.minimumf %broadcast_in_dim3A_34, %min3A : vector<16xf32>
      %max3A_94 = arith.maximumf %broadcast_in_dim3A_34, %min3A_93 : vector<16xf32>
      %min3A_95 = arith.minimumf %broadcast_in_dim3A_34, %min3A_93 : vector<16xf32>
      %max3A_96 = arith.maximumf %broadcast_in_dim3A_34, %min3A_95 : vector<16xf32>
      %min3A_97 = arith.minimumf %broadcast_in_dim3A_34, %min3A_95 : vector<16xf32>
      %max3A_98 = arith.maximumf %broadcast_in_dim3A_34, %min3A_97 : vector<16xf32>
      %min3A_99 = arith.minimumf %broadcast_in_dim3A_34, %min3A_97 : vector<16xf32>
      %max3A_100 = arith.maximumf %broadcast_in_dim3A_34, %min3A_99 : vector<16xf32>
      %get3A_101 = arith.constant 0 : i32
      %get3A_102 = arith.constant 1 : i32
      %get3A_103 = arith.index_cast %get3A_101 : i32 to index
      %get3A_104 = arith.index_cast %get3A_102 : i32 to index
      %get3A_105 = arith.constant 0 : index
      %get3A_106 = tpu.vector_load %arg6[%get3A_103, %get3A_104, %get3A_105] {strides = array<i32>} : memref<4x7x16xf32, #tpu.memory_space<vmem>>, vector<16xf32>,
      %max3A_107 = arith.maximumf %max3A, %get3A_106 : vector<16xf32>
      %min3A_108 = arith.minimumf %max3A, %get3A_106 : vector<16xf32>
      %max3A_109 = arith.maximumf %max3A_92, %min3A_108 : vector<16xf32>
      %min3A_110 = arith.minimumf %max3A_92, %min3A_108 : vector<16xf32>
      %max3A_111 = arith.maximumf %max3A_94, %min3A_110 : vector<16xf32>
      %min3A_112 = arith.minimumf %max3A_94, %min3A_110 : vector<16xf32>
      %max3A_113 = arith.maximumf %max3A_96, %min3A_112 : vector<16xf32>
      %min3A_114 = arith.minimumf %max3A_96, %min3A_112 : vector<16xf32>
      %max3A_115 = arith.maximumf %max3A_98, %min3A_114 : vector<16xf32>
      %min3A_116 = arith.minimumf %max3A_98, %min3A_114 : vector<16xf32>
      %max3A_117 = arith.maximumf %max3A_100, %min3A_116 : vector<16xf32>
      %get3A_118 = arith.constant 0 : i32
      %get3A_119 = arith.constant 2 : i32
      %get3A_120 = arith.index_cast %get3A_118 : i32 to index
      %get3A_121 = arith.index_cast %get3A_119 : i32 to index
      %get3A_122 = arith.constant 0 : index
      %get3A_123 = tpu.vector_load %arg6[%get3A_120, %get3A_121, %get3A_122] {strides = array<i32>} : memref<4x7x16xf32, #tpu.memory_space<vmem>>, vector<16xf32>,
      %max3A_124 = arith.maximumf %max3A_107, %get3A_123 : vector<16xf32>
      %min3A_125 = arith.minimumf %max3A_107, %get3A_123 : vector<16xf32>
      %max3A_126 = arith.maximumf %max3A_109, %min3A_125 : vector<16xf32>
      %min3A_127 = arith.minimumf %max3A_109, %min3A_125 : vector<16xf32>
      %max3A_128 = arith.maximumf %max3A_111, %min3A_127 : vector<16xf32>
      %min3A_129 = arith.minimumf %max3A_111, %min3A_127 : vector<16xf32>
      %max3A_130 = arith.maximumf %max3A_113, %min3A_129 : vector<16xf32>
      %min3A_131 = arith.minimumf %max3A_113, %min3A_129 : vector<16xf32>
      %max3A_132 = arith.maximumf %max3A_115, %min3A_131 : vector<16xf32>
      %min3A_133 = arith.minimumf %max3A_115, %min3A_131 : vector<16xf32>
      %max3A_134 = arith.maximumf %max3A_117, %min3A_133 : vector<16xf32>
      %get3A_135 = arith.constant 0 : i32
      %get3A_136 = arith.constant 3 : i32
      %get3A_137 = arith.index_cast %get3A_135 : i32 to index
      %get3A_138 = arith.index_cast %get3A_136 : i32 to index
      %get3A_139 = arith.constant 0 : index
      %get3A_140 = tpu.vector_load %arg6[%get3A_137, %get3A_138, %get3A_139] {strides = array<i32>} : memref<4x7x16xf32, #tpu.memory_space<vmem>>, vector<16xf32>,
      %max3A_141 = arith.maximumf %max3A_124, %get3A_140 : vector<16xf32>
      %min3A_142 = arith.minimumf %max3A_124, %get3A_140 : vector<16xf32>
      %max3A_143 = arith.maximumf %max3A_126, %min3A_142 : vector<16xf32>
      %min3A_144 = arith.minimumf %max3A_126, %min3A_142 : vector<16xf32>
      %max3A_145 = arith.maximumf %max3A_128, %min3A_144 : vector<16xf32>
      %min3A_146 = arith.minimumf %max3A_128, %min3A_144 : vector<16xf32>
      %max3A_147 = arith.maximumf %max3A_130, %min3A_146 : vector<16xf32>
      %min3A_148 = arith.minimumf %max3A_130, %min3A_146 : vector<16xf32>
      %max3A_149 = arith.maximumf %max3A_132, %min3A_148 : vector<16xf32>
      %min3A_150 = arith.minimumf %max3A_132, %min3A_148 : vector<16xf32>
      %max3A_151 = arith.maximumf %max3A_134, %min3A_150 : vector<16xf32>
      %get3A_152 = arith.constant 0 : i32
      %get3A_153 = arith.constant 4 : i32
      %get3A_154 = arith.index_cast %get3A_152 : i32 to index
      %get3A_155 = arith.index_cast %get3A_153 : i32 to index
      %get3A_156 = arith.constant 0 : index
      %get3A_157 = tpu.vector_load %arg6[%get3A_154, %get3A_155, %get3A_156] {strides = array<i32>} : memref<4x7x16xf32, #tpu.memory_space<vmem>>, vector<16xf32>,
      %max3A_158 = arith.maximumf %max3A_141, %get3A_157 : vector<16xf32>
      %min3A_159 = arith.minimumf %max3A_141, %get3A_157 : vector<16xf32>
      %max3A_160 = arith.maximumf %max3A_143, %min3A_159 : vector<16xf32>
      %min3A_161 = arith.minimumf %max3A_143, %min3A_159 : vector<16xf32>
      %max3A_162 = arith.maximumf %max3A_145, %min3A_161 : vector<16xf32>
      %min3A_163 = arith.minimumf %max3A_145, %min3A_161 : vector<16xf32>
      %max3A_164 = arith.maximumf %max3A_147, %min3A_163 : vector<16xf32>
      %min3A_165 = arith.minimumf %max3A_147, %min3A_163 : vector<16xf32>
      %max3A_166 = arith.maximumf %max3A_149, %min3A_165 : vector<16xf32>
      %min3A_167 = arith.minimumf %max3A_149, %min3A_165 : vector<16xf32>
      %max3A_168 = arith.maximumf %max3A_151, %min3A_167 : vector<16xf32>
      %get3A_169 = arith.constant 0 : i32
      %get3A_170 = arith.constant 5 : i32
      %get3A_171 = arith.index_cast %get3A_169 : i32 to index
      %get3A_172 = arith.index_cast %get3A_170 : i32 to index
      %get3A_173 = arith.constant 0 : index
      %get3A_174 = tpu.vector_load %arg6[%get3A_171, %get3A_172, %get3A_173] {strides = array<i32>} : memref<4x7x16xf32, #tpu.memory_space<vmem>>, vector<16xf32>,
      %max3A_175 = arith.maximumf %max3A_158, %get3A_174 : vector<16xf32>
      %min3A_176 = arith.minimumf %max3A_158, %get3A_174 : vector<16xf32>
      %max3A_177 = arith.maximumf %max3A_160, %min3A_176 : vector<16xf32>
      %min3A_178 = arith.minimumf %max3A_160, %min3A_176 : vector<16xf32>
      %max3A_179 = arith.maximumf %max3A_162, %min3A_178 : vector<16xf32>
      %min3A_180 = arith.minimumf %max3A_162, %min3A_178 : vector<16xf32>
      %max3A_181 = arith.maximumf %max3A_164, %min3A_180 : vector<16xf32>
      %min3A_182 = arith.minimumf %max3A_164, %min3A_180 : vector<16xf32>
      %max3A_183 = arith.maximumf %max3A_166, %min3A_182 : vector<16xf32>
      %min3A_184 = arith.minimumf %max3A_166, %min3A_182 : vector<16xf32>
      %max3A_185 = arith.maximumf %max3A_168, %min3A_184 : vector<16xf32>
      %get3A_186 = arith.constant 1 : i32
      %get3A_187 = arith.constant 6 : i32
      %get3A_188 = arith.index_cast %get3A_186 : i32 to index
      %get3A_189 = arith.index_cast %get3A_187 : i32 to index
      %get3A_190 = arith.constant 0 : index
      %get3A_191 = tpu.vector_load %arg6[%get3A_188, %get3A_189, %get3A_190] {strides = array<i32>} : memref<4x7x16xf32, #tpu.memory_space<vmem>>, vector<16xf32>,
      %add3A_192 = arith.addf %add3A_85, %get3A_191 : vector<16xf32>
      %get3A_193 = arith.constant 1 : i32
      %get3A_194 = arith.constant 0 : i32
      %get3A_195 = arith.index_cast %get3A_193 : i32 to index
      %get3A_196 = arith.index_cast %get3A_194 : i32 to index
      %get3A_197 = arith.constant 0 : index
      %get3A_198 = tpu.vector_load %arg6[%get3A_195, %get3A_196, %get3A_197] {strides = array<i32>} : memref<4x7x16xf32, #tpu.memory_space<vmem>>, vector<16xf32>,
      %max3A_199 = arith.maximumf %max3A_175, %get3A_198 : vector<16xf32>
      %min3A_200 = arith.minimumf %max3A_175, %get3A_198 : vector<16xf32>
      %max3A_201 = arith.maximumf %max3A_177, %min3A_200 : vector<16xf32>
      %min3A_202 = arith.minimumf %max3A_177, %min3A_200 : vector<16xf32>
      %max3A_203 = arith.maximumf %max3A_179, %min3A_202 : vector<16xf32>
      %min3A_204 = arith.minimumf %max3A_179, %min3A_202 : vector<16xf32>
      %max3A_205 = arith.maximumf %max3A_181, %min3A_204 : vector<16xf32>
      %min3A_206 = arith.minimumf %max3A_181, %min3A_204 : vector<16xf32>
      %max3A_207 = arith.maximumf %max3A_183, %min3A_206 : vector<16xf32>
      %min3A_208 = arith.minimumf %max3A_183, %min3A_206 : vector<16xf32>
      %max3A_209 = arith.maximumf %max3A_185, %min3A_208 : vector<16xf32>
      %get3A_210 = arith.constant 1 : i32
      %get3A_211 = arith.constant 1 : i32
      %get3A_212 = arith.index_cast %get3A_210 : i32 to index
      %get3A_213 = arith.index_cast %get3A_211 : i32 to index
      %get3A_214 = arith.constant 0 : index
      %get3A_215 = tpu.vector_load %arg6[%get3A_212, %get3A_213, %get3A_214] {strides = array<i32>} : memref<4x7x16xf32, #tpu.memory_space<vmem>>, vector<16xf32>,
      %max3A_216 = arith.maximumf %max3A_199, %get3A_215 : vector<16xf32>
      %min3A_217 = arith.minimumf %max3A_199, %get3A_215 : vector<16xf32>
      %max3A_218 = arith.maximumf %max3A_201, %min3A_217 : vector<16xf32>
      %min3A_219 = arith.minimumf %max3A_201, %min3A_217 : vector<16xf32>
      %max3A_220 = arith.maximumf %max3A_203, %min3A_219 : vector<16xf32>
      %min3A_221 = arith.minimumf %max3A_203, %min3A_219 : vector<16xf32>
      %max3A_222 = arith.maximumf %max3A_205, %min3A_221 : vector<16xf32>
      %min3A_223 = arith.minimumf %max3A_205, %min3A_221 : vector<16xf32>
      %max3A_224 = arith.maximumf %max3A_207, %min3A_223 : vector<16xf32>
      %min3A_225 = arith.minimumf %max3A_207, %min3A_223 : vector<16xf32>
      %max3A_226 = arith.maximumf %max3A_209, %min3A_225 : vector<16xf32>
      %get3A_227 = arith.constant 1 : i32
      %get3A_228 = arith.constant 2 : i32
      %get3A_229 = arith.index_cast %get3A_227 : i32 to index
      %get3A_230 = arith.index_cast %get3A_228 : i32 to index
      %get3A_231 = arith.constant 0 : index
      %get3A_232 = tpu.vector_load %arg6[%get3A_229, %get3A_230, %get3A_231] {strides = array<i32>} : memref<4x7x16xf32, #tpu.memory_space<vmem>>, vector<16xf32>,
      %max3A_233 = arith.maximumf %max3A_216, %get3A_232 : vector<16xf32>
      %min3A_234 = arith.minimumf %max3A_216, %get3A_232 : vector<16xf32>
      %max3A_235 = arith.maximumf %max3A_218, %min3A_234 : vector<16xf32>
      %min3A_236 = arith.minimumf %max3A_218, %min3A_234 : vector<16xf32>
      %max3A_237 = arith.maximumf %max3A_220, %min3A_236 : vector<16xf32>
      %min3A_238 = arith.minimumf %max3A_220, %min3A_236 : vector<16xf32>
      %max3A_239 = arith.maximumf %max3A_222, %min3A_238 : vector<16xf32>
      %min3A_240 = arith.minimumf %max3A_222, %min3A_238 : vector<16xf32>
      %max3A_241 = arith.maximumf %max3A_224, %min3A_240 : vector<16xf32>
      %min3A_242 = arith.minimumf %max3A_224, %min3A_240 : vector<16xf32>
      %max3A_243 = arith.maximumf %max3A_226, %min3A_242 : vector<16xf32>
      %get3A_244 = arith.constant 1 : i32
      %get3A_245 = arith.constant 3 : i32
      %get3A_246 = arith.index_cast %get3A_244 : i32 to index
      %get3A_247 = arith.index_cast %get3A_245 : i32 to index
      %get3A_248 = arith.constant 0 : index
      %get3A_249 = tpu.vector_load %arg6[%get3A_246, %get3A_247, %get3A_248] {strides = array<i32>} : memref<4x7x16xf32, #tpu.memory_space<vmem>>, vector<16xf32>,
      %max3A_250 = arith.maximumf %max3A_233, %get3A_249 : vector<16xf32>
      %min3A_251 = arith.minimumf %max3A_233, %get3A_249 : vector<16xf32>
      %max3A_252 = arith.maximumf %max3A_235, %min3A_251 : vector<16xf32>
      %min3A_253 = arith.minimumf %max3A_235, %min3A_251 : vector<16xf32>
      %max3A_254 = arith.maximumf %max3A_237, %min3A_253 : vector<16xf32>
      %min3A_255 = arith.minimumf %max3A_237, %min3A_253 : vector<16xf32>
      %max3A_256 = arith.maximumf %max3A_239, %min3A_255 : vector<16xf32>
      %min3A_257 = arith.minimumf %max3A_239, %min3A_255 : vector<16xf32>
      %max3A_258 = arith.maximumf %max3A_241, %min3A_257 : vector<16xf32>
      %min3A_259 = arith.minimumf %max3A_241, %min3A_257 : vector<16xf32>
      %max3A_260 = arith.maximumf %max3A_243, %min3A_259 : vector<16xf32>
      %get3A_261 = arith.constant 1 : i32
      %get3A_262 = arith.constant 4 : i32
      %get3A_263 = arith.index_cast %get3A_261 : i32 to index
      %get3A_264 = arith.index_cast %get3A_262 : i32 to index
      %get3A_265 = arith.constant 0 : index
      %get3A_266 = tpu.vector_load %arg6[%get3A_263, %get3A_264, %get3A_265] {strides = array<i32>} : memref<4x7x16xf32, #tpu.memory_space<vmem>>, vector<16xf32>,
      %max3A_267 = arith.maximumf %max3A_250, %get3A_266 : vector<16xf32>
      %min3A_268 = arith.minimumf %max3A_250, %get3A_266 : vector<16xf32>
      %max3A_269 = arith.maximumf %max3A_252, %min3A_268 : vector<16xf32>
      %min3A_270 = arith.minimumf %max3A_252, %min3A_268 : vector<16xf32>
      %max3A_271 = arith.maximumf %max3A_254, %min3A_270 : vector<16xf32>
      %min3A_272 = arith.minimumf %max3A_254, %min3A_270 : vector<16xf32>
      %max3A_273 = arith.maximumf %max3A_256, %min3A_272 : vector<16xf32>
      %min3A_274 = arith.minimumf %max3A_256, %min3A_272 : vector<16xf32>
      %max3A_275 = arith.maximumf %max3A_258, %min3A_274 : vector<16xf32>
      %min3A_276 = arith.minimumf %max3A_258, %min3A_274 : vector<16xf32>
      %max3A_277 = arith.maximumf %max3A_260, %min3A_276 : vector<16xf32>
      %get3A_278 = arith.constant 1 : i32
      %get3A_279 = arith.constant 5 : i32
      %get3A_280 = arith.index_cast %get3A_278 : i32 to index
      %get3A_281 = arith.index_cast %get3A_279 : i32 to index
      %get3A_282 = arith.constant 0 : index
      %get3A_283 = tpu.vector_load %arg6[%get3A_280, %get3A_281, %get3A_282] {strides = array<i32>} : memref<4x7x16xf32, #tpu.memory_space<vmem>>, vector<16xf32>,
      %max3A_284 = arith.maximumf %max3A_267, %get3A_283 : vector<16xf32>
      %min3A_285 = arith.minimumf %max3A_267, %get3A_283 : vector<16xf32>
      %max3A_286 = arith.maximumf %max3A_269, %min3A_285 : vector<16xf32>
      %min3A_287 = arith.minimumf %max3A_269, %min3A_285 : vector<16xf32>
      %max3A_288 = arith.maximumf %max3A_271, %min3A_287 : vector<16xf32>
      %min3A_289 = arith.minimumf %max3A_271, %min3A_287 : vector<16xf32>
      %max3A_290 = arith.maximumf %max3A_273, %min3A_289 : vector<16xf32>
      %min3A_291 = arith.minimumf %max3A_273, %min3A_289 : vector<16xf32>
      %max3A_292 = arith.maximumf %max3A_275, %min3A_291 : vector<16xf32>
      %min3A_293 = arith.minimumf %max3A_275, %min3A_291 : vector<16xf32>
      %max3A_294 = arith.maximumf %max3A_277, %min3A_293 : vector<16xf32>
      %get3A_295 = arith.constant 2 : i32
      %get3A_296 = arith.constant 6 : i32
      %get3A_297 = arith.index_cast %get3A_295 : i32 to index
      %get3A_298 = arith.index_cast %get3A_296 : i32 to index
      %get3A_299 = arith.constant 0 : index
      %get3A_300 = tpu.vector_load %arg6[%get3A_297, %get3A_298, %get3A_299] {strides = array<i32>} : memref<4x7x16xf32, #tpu.memory_space<vmem>>, vector<16xf32>,
      %add3A_301 = arith.addf %add3A_192, %get3A_300 : vector<16xf32>
      %get3A_302 = arith.constant 2 : i32
      %get3A_303 = arith.constant 0 : i32
      %get3A_304 = arith.index_cast %get3A_302 : i32 to index
      %get3A_305 = arith.index_cast %get3A_303 : i32 to index
      %get3A_306 = arith.constant 0 : index
      %get3A_307 = tpu.vector_load %arg6[%get3A_304, %get3A_305, %get3A_306] {strides = array<i32>} : memref<4x7x16xf32, #tpu.memory_space<vmem>>, vector<16xf32>,
      %max3A_308 = arith.maximumf %max3A_284, %get3A_307 : vector<16xf32>
      %min3A_309 = arith.minimumf %max3A_284, %get3A_307 : vector<16xf32>
      %max3A_310 = arith.maximumf %max3A_286, %min3A_309 : vector<16xf32>
      %min3A_311 = arith.minimumf %max3A_286, %min3A_309 : vector<16xf32>
      %max3A_312 = arith.maximumf %max3A_288, %min3A_311 : vector<16xf32>
      %min3A_313 = arith.minimumf %max3A_288, %min3A_311 : vector<16xf32>
      %max3A_314 = arith.maximumf %max3A_290, %min3A_313 : vector<16xf32>
      %min3A_315 = arith.minimumf %max3A_290, %min3A_313 : vector<16xf32>
      %max3A_316 = arith.maximumf %max3A_292, %min3A_315 : vector<16xf32>
      %min3A_317 = arith.minimumf %max3A_292, %min3A_315 : vector<16xf32>
      %max3A_318 = arith.maximumf %max3A_294, %min3A_317 : vector<16xf32>
      %get3A_319 = arith.constant 2 : i32
      %get3A_320 = arith.constant 1 : i32
      %get3A_321 = arith.index_cast %get3A_319 : i32 to index
      %get3A_322 = arith.index_cast %get3A_320 : i32 to index
      %get3A_323 = arith.constant 0 : index
      %get3A_324 = tpu.vector_load %arg6[%get3A_321, %get3A_322, %get3A_323] {strides = array<i32>} : memref<4x7x16xf32, #tpu.memory_space<vmem>>, vector<16xf32>,
      %max3A_325 = arith.maximumf %max3A_308, %get3A_324 : vector<16xf32>
      %min3A_326 = arith.minimumf %max3A_308, %get3A_324 : vector<16xf32>
      %max3A_327 = arith.maximumf %max3A_310, %min3A_326 : vector<16xf32>
      %min3A_328 = arith.minimumf %max3A_310, %min3A_326 : vector<16xf32>
      %max3A_329 = arith.maximumf %max3A_312, %min3A_328 : vector<16xf32>
      %min3A_330 = arith.minimumf %max3A_312, %min3A_328 : vector<16xf32>
      %max3A_331 = arith.maximumf %max3A_314, %min3A_330 : vector<16xf32>
      %min3A_332 = arith.minimumf %max3A_314, %min3A_330 : vector<16xf32>
      %max3A_333 = arith.maximumf %max3A_316, %min3A_332 : vector<16xf32>
      %min3A_334 = arith.minimumf %max3A_316, %min3A_332 : vector<16xf32>
      %max3A_335 = arith.maximumf %max3A_318, %min3A_334 : vector<16xf32>
      %get3A_336 = arith.constant 2 : i32
      %get3A_337 = arith.constant 2 : i32
      %get3A_338 = arith.index_cast %get3A_336 : i32 to index
      %get3A_339 = arith.index_cast %get3A_337 : i32 to index
      %get3A_340 = arith.constant 0 : index
      %get3A_341 = tpu.vector_load %arg6[%get3A_338, %get3A_339, %get3A_340] {strides = array<i32>} : memref<4x7x16xf32, #tpu.memory_space<vmem>>, vector<16xf32>,
      %max3A_342 = arith.maximumf %max3A_325, %get3A_341 : vector<16xf32>
      %min3A_343 = arith.minimumf %max3A_325, %get3A_341 : vector<16xf32>
      %max3A_344 = arith.maximumf %max3A_327, %min3A_343 : vector<16xf32>
      %min3A_345 = arith.minimumf %max3A_327, %min3A_343 : vector<16xf32>
      %max3A_346 = arith.maximumf %max3A_329, %min3A_345 : vector<16xf32>
      %min3A_347 = arith.minimumf %max3A_329, %min3A_345 : vector<16xf32>
      %max3A_348 = arith.maximumf %max3A_331, %min3A_347 : vector<16xf32>
      %min3A_349 = arith.minimumf %max3A_331, %min3A_347 : vector<16xf32>
      %max3A_350 = arith.maximumf %max3A_333, %min3A_349 : vector<16xf32>
      %min3A_351 = arith.minimumf %max3A_333, %min3A_349 : vector<16xf32>
      %max3A_352 = arith.maximumf %max3A_335, %min3A_351 : vector<16xf32>
      %get3A_353 = arith.constant 2 : i32
      %get3A_354 = arith.constant 3 : i32
      %get3A_355 = arith.index_cast %get3A_353 : i32 to index
      %get3A_356 = arith.index_cast %get3A_354 : i32 to index
      %get3A_357 = arith.constant 0 : index
      %get3A_358 = tpu.vector_load %arg6[%get3A_355, %get3A_356, %get3A_357] {strides = array<i32>} : memref<4x7x16xf32, #tpu.memory_space<vmem>>, vector<16xf32>,
      %max3A_359 = arith.maximumf %max3A_342, %get3A_358 : vector<16xf32>
      %min3A_360 = arith.minimumf %max3A_342, %get3A_358 : vector<16xf32>
      %max3A_361 = arith.maximumf %max3A_344, %min3A_360 : vector<16xf32>
      %min3A_362 = arith.minimumf %max3A_344, %min3A_360 : vector<16xf32>
      %max3A_363 = arith.maximumf %max3A_346, %min3A_362 : vector<16xf32>
      %min3A_364 = arith.minimumf %max3A_346, %min3A_362 : vector<16xf32>
      %max3A_365 = arith.maximumf %max3A_348, %min3A_364 : vector<16xf32>
      %min3A_366 = arith.minimumf %max3A_348, %min3A_364 : vector<16xf32>
      %max3A_367 = arith.maximumf %max3A_350, %min3A_366 : vector<16xf32>
      %min3A_368 = arith.minimumf %max3A_350, %min3A_366 : vector<16xf32>
      %max3A_369 = arith.maximumf %max3A_352, %min3A_368 : vector<16xf32>
      %get3A_370 = arith.constant 2 : i32
      %get3A_371 = arith.constant 4 : i32
      %get3A_372 = arith.index_cast %get3A_370 : i32 to index
      %get3A_373 = arith.index_cast %get3A_371 : i32 to index
      %get3A_374 = arith.constant 0 : index
      %get3A_375 = tpu.vector_load %arg6[%get3A_372, %get3A_373, %get3A_374] {strides = array<i32>} : memref<4x7x16xf32, #tpu.memory_space<vmem>>, vector<16xf32>,
      %max3A_376 = arith.maximumf %max3A_359, %get3A_375 : vector<16xf32>
      %min3A_377 = arith.minimumf %max3A_359, %get3A_375 : vector<16xf32>
      %max3A_378 = arith.maximumf %max3A_361, %min3A_377 : vector<16xf32>
      %min3A_379 = arith.minimumf %max3A_361, %min3A_377 : vector<16xf32>
      %max3A_380 = arith.maximumf %max3A_363, %min3A_379 : vector<16xf32>
      %min3A_381 = arith.minimumf %max3A_363, %min3A_379 : vector<16xf32>
      %max3A_382 = arith.maximumf %max3A_365, %min3A_381 : vector<16xf32>
      %min3A_383 = arith.minimumf %max3A_365, %min3A_381 : vector<16xf32>
      %max3A_384 = arith.maximumf %max3A_367, %min3A_383 : vector<16xf32>
      %min3A_385 = arith.minimumf %max3A_367, %min3A_383 : vector<16xf32>
      %max3A_386 = arith.maximumf %max3A_369, %min3A_385 : vector<16xf32>
      %get3A_387 = arith.constant 2 : i32
      %get3A_388 = arith.constant 5 : i32
      %get3A_389 = arith.index_cast %get3A_387 : i32 to index
      %get3A_390 = arith.index_cast %get3A_388 : i32 to index
      %get3A_391 = arith.constant 0 : index
      %get3A_392 = tpu.vector_load %arg6[%get3A_389, %get3A_390, %get3A_391] {strides = array<i32>} : memref<4x7x16xf32, #tpu.memory_space<vmem>>, vector<16xf32>,
      %max3A_393 = arith.maximumf %max3A_376, %get3A_392 : vector<16xf32>
      %min3A_394 = arith.minimumf %max3A_376, %get3A_392 : vector<16xf32>
      %max3A_395 = arith.maximumf %max3A_378, %min3A_394 : vector<16xf32>
      %min3A_396 = arith.minimumf %max3A_378, %min3A_394 : vector<16xf32>
      %max3A_397 = arith.maximumf %max3A_380, %min3A_396 : vector<16xf32>
      %min3A_398 = arith.minimumf %max3A_380, %min3A_396 : vector<16xf32>
      %max3A_399 = arith.maximumf %max3A_382, %min3A_398 : vector<16xf32>
      %min3A_400 = arith.minimumf %max3A_382, %min3A_398 : vector<16xf32>
      %max3A_401 = arith.maximumf %max3A_384, %min3A_400 : vector<16xf32>
      %min3A_402 = arith.minimumf %max3A_384, %min3A_400 : vector<16xf32>
      %max3A_403 = arith.maximumf %max3A_386, %min3A_402 : vector<16xf32>
      %get3A_404 = arith.constant 3 : i32
      %get3A_405 = arith.constant 6 : i32
      %get3A_406 = arith.index_cast %get3A_404 : i32 to index
      %get3A_407 = arith.index_cast %get3A_405 : i32 to index
      %get3A_408 = arith.constant 0 : index
      %get3A_409 = tpu.vector_load %arg6[%get3A_406, %get3A_407, %get3A_408] {strides = array<i32>} : memref<4x7x16xf32, #tpu.memory_space<vmem>>, vector<16xf32>,
      %add3A_410 = arith.addf %add3A_301, %get3A_409 : vector<16xf32>
      %get3A_411 = arith.constant 3 : i32
      %get3A_412 = arith.constant 0 : i32
      %get3A_413 = arith.index_cast %get3A_411 : i32 to index
      %get3A_414 = arith.index_cast %get3A_412 : i32 to index
      %get3A_415 = arith.constant 0 : index
      %get3A_416 = tpu.vector_load %arg6[%get3A_413, %get3A_414, %get3A_415] {strides = array<i32>} : memref<4x7x16xf32, #tpu.memory_space<vmem>>, vector<16xf32>,
      %max3A_417 = arith.maximumf %max3A_393, %get3A_416 : vector<16xf32>
      %min3A_418 = arith.minimumf %max3A_393, %get3A_416 : vector<16xf32>
      %max3A_419 = arith.maximumf %max3A_395, %min3A_418 : vector<16xf32>
      %min3A_420 = arith.minimumf %max3A_395, %min3A_418 : vector<16xf32>
      %max3A_421 = arith.maximumf %max3A_397, %min3A_420 : vector<16xf32>
      %min3A_422 = arith.minimumf %max3A_397, %min3A_420 : vector<16xf32>
      %max3A_423 = arith.maximumf %max3A_399, %min3A_422 : vector<16xf32>
      %min3A_424 = arith.minimumf %max3A_399, %min3A_422 : vector<16xf32>
      %max3A_425 = arith.maximumf %max3A_401, %min3A_424 : vector<16xf32>
      %min3A_426 = arith.minimumf %max3A_401, %min3A_424 : vector<16xf32>
      %max3A_427 = arith.maximumf %max3A_403, %min3A_426 : vector<16xf32>
      %get3A_428 = arith.constant 3 : i32
      %get3A_429 = arith.constant 1 : i32
      %get3A_430 = arith.index_cast %get3A_428 : i32 to index
      %get3A_431 = arith.index_cast %get3A_429 : i32 to index
      %get3A_432 = arith.constant 0 : index
      %get3A_433 = tpu.vector_load %arg6[%get3A_430, %get3A_431, %get3A_432] {strides = array<i32>} : memref<4x7x16xf32, #tpu.memory_space<vmem>>, vector<16xf32>,
      %max3A_434 = arith.maximumf %max3A_417, %get3A_433 : vector<16xf32>
      %min3A_435 = arith.minimumf %max3A_417, %get3A_433 : vector<16xf32>
      %max3A_436 = arith.maximumf %max3A_419, %min3A_435 : vector<16xf32>
      %min3A_437 = arith.minimumf %max3A_419, %min3A_435 : vector<16xf32>
      %max3A_438 = arith.maximumf %max3A_421, %min3A_437 : vector<16xf32>
      %min3A_439 = arith.minimumf %max3A_421, %min3A_437 : vector<16xf32>
      %max3A_440 = arith.maximumf %max3A_423, %min3A_439 : vector<16xf32>
      %min3A_441 = arith.minimumf %max3A_423, %min3A_439 : vector<16xf32>
      %max3A_442 = arith.maximumf %max3A_425, %min3A_441 : vector<16xf32>
      %min3A_443 = arith.minimumf %max3A_425, %min3A_441 : vector<16xf32>
      %max3A_444 = arith.maximumf %max3A_427, %min3A_443 : vector<16xf32>
      %get3A_445 = arith.constant 3 : i32
      %get3A_446 = arith.constant 2 : i32
      %get3A_447 = arith.index_cast %get3A_445 : i32 to index
      %get3A_448 = arith.index_cast %get3A_446 : i32 to index
      %get3A_449 = arith.constant 0 : index
      %get3A_450 = tpu.vector_load %arg6[%get3A_447, %get3A_448, %get3A_449] {strides = array<i32>} : memref<4x7x16xf32, #tpu.memory_space<vmem>>, vector<16xf32>,
      %max3A_451 = arith.maximumf %max3A_434, %get3A_450 : vector<16xf32>
      %min3A_452 = arith.minimumf %max3A_434, %get3A_450 : vector<16xf32>
      %max3A_453 = arith.maximumf %max3A_436, %min3A_452 : vector<16xf32>
      %min3A_454 = arith.minimumf %max3A_436, %min3A_452 : vector<16xf32>
      %max3A_455 = arith.maximumf %max3A_438, %min3A_454 : vector<16xf32>
      %min3A_456 = arith.minimumf %max3A_438, %min3A_454 : vector<16xf32>
      %max3A_457 = arith.maximumf %max3A_440, %min3A_456 : vector<16xf32>
      %min3A_458 = arith.minimumf %max3A_440, %min3A_456 : vector<16xf32>
      %max3A_459 = arith.maximumf %max3A_442, %min3A_458 : vector<16xf32>
      %min3A_460 = arith.minimumf %max3A_442, %min3A_458 : vector<16xf32>
      %max3A_461 = arith.maximumf %max3A_444, %min3A_460 : vector<16xf32>
      %get3A_462 = arith.constant 3 : i32
      %get3A_463 = arith.constant 3 : i32
      %get3A_464 = arith.index_cast %get3A_462 : i32 to index
      %get3A_465 = arith.index_cast %get3A_463 : i32 to index
      %get3A_466 = arith.constant 0 : index
      %get3A_467 = tpu.vector_load %arg6[%get3A_464, %get3A_465, %get3A_466] {strides = array<i32>} : memref<4x7x16xf32, #tpu.memory_space<vmem>>, vector<16xf32>,
      %max3A_468 = arith.maximumf %max3A_451, %get3A_467 : vector<16xf32>
      %min3A_469 = arith.minimumf %max3A_451, %get3A_467 : vector<16xf32>
      %max3A_470 = arith.maximumf %max3A_453, %min3A_469 : vector<16xf32>
      %min3A_471 = arith.minimumf %max3A_453, %min3A_469 : vector<16xf32>
      %max3A_472 = arith.maximumf %max3A_455, %min3A_471 : vector<16xf32>
      %min3A_473 = arith.minimumf %max3A_455, %min3A_471 : vector<16xf32>
      %max3A_474 = arith.maximumf %max3A_457, %min3A_473 : vector<16xf32>
      %min3A_475 = arith.minimumf %max3A_457, %min3A_473 : vector<16xf32>
      %max3A_476 = arith.maximumf %max3A_459, %min3A_475 : vector<16xf32>
      %min3A_477 = arith.minimumf %max3A_459, %min3A_475 : vector<16xf32>
      %max3A_478 = arith.maximumf %max3A_461, %min3A_477 : vector<16xf32>
      %get3A_479 = arith.constant 3 : i32
      %get3A_480 = arith.constant 4 : i32
      %get3A_481 = arith.index_cast %get3A_479 : i32 to index
      %get3A_482 = arith.index_cast %get3A_480 : i32 to index
      %get3A_483 = arith.constant 0 : index
      %get3A_484 = tpu.vector_load %arg6[%get3A_481, %get3A_482, %get3A_483] {strides = array<i32>} : memref<4x7x16xf32, #tpu.memory_space<vmem>>, vector<16xf32>,
      %max3A_485 = arith.maximumf %max3A_468, %get3A_484 : vector<16xf32>
      %min3A_486 = arith.minimumf %max3A_468, %get3A_484 : vector<16xf32>
      %max3A_487 = arith.maximumf %max3A_470, %min3A_486 : vector<16xf32>
      %min3A_488 = arith.minimumf %max3A_470, %min3A_486 : vector<16xf32>
      %max3A_489 = arith.maximumf %max3A_472, %min3A_488 : vector<16xf32>
      %min3A_490 = arith.minimumf %max3A_472, %min3A_488 : vector<16xf32>
      %max3A_491 = arith.maximumf %max3A_474, %min3A_490 : vector<16xf32>
      %min3A_492 = arith.minimumf %max3A_474, %min3A_490 : vector<16xf32>
      %max3A_493 = arith.maximumf %max3A_476, %min3A_492 : vector<16xf32>
      %min3A_494 = arith.minimumf %max3A_476, %min3A_492 : vector<16xf32>
      %max3A_495 = arith.maximumf %max3A_478, %min3A_494 : vector<16xf32>
      %get3A_496 = arith.constant 3 : i32
      %get3A_497 = arith.constant 5 : i32
      %get3A_498 = arith.index_cast %get3A_496 : i32 to index
      %get3A_499 = arith.index_cast %get3A_497 : i32 to index
      %get3A_500 = arith.constant 0 : index
      %get3A_501 = tpu.vector_load %arg6[%get3A_498, %get3A_499, %get3A_500] {strides = array<i32>} : memref<4x7x16xf32, #tpu.memory_space<vmem>>, vector<16xf32>,
      %max3A_502 = arith.maximumf %max3A_485, %get3A_501 : vector<16xf32>
      %min3A_503 = arith.minimumf %max3A_485, %get3A_501 : vector<16xf32>
      %max3A_504 = arith.maximumf %max3A_487, %min3A_503 : vector<16xf32>
      %min3A_505 = arith.minimumf %max3A_487, %min3A_503 : vector<16xf32>
      %max3A_506 = arith.maximumf %max3A_489, %min3A_505 : vector<16xf32>
      %min3A_507 = arith.minimumf %max3A_489, %min3A_505 : vector<16xf32>
      %max3A_508 = arith.maximumf %max3A_491, %min3A_507 : vector<16xf32>
      %min3A_509 = arith.minimumf %max3A_491, %min3A_507 : vector<16xf32>
      %max3A_510 = arith.maximumf %max3A_493, %min3A_509 : vector<16xf32>
      %min3A_511 = arith.minimumf %max3A_493, %min3A_509 : vector<16xf32>
      %max3A_512 = arith.maximumf %max3A_495, %min3A_511 : vector<16xf32>
      %broadcast_in_dim3A_513 = arith.constant 0.000000e+00 : f32
      %broadcast_in_dim3A_514 = vector.broadcast %broadcast_in_dim3A_513 : f32 to vector<16xf32>
      %mul3A_515 = arith.constant 2.000000e+00 : f32
      %mul3A_516 = vector.broadcast %mul3A_515 : f32 to vector<16xf32>
      %mul3A_517 = arith.mulf %mul3A_516, %max3A_502 : vector<16xf32>
      %sub3A_518 = arith.subf %mul3A_517, %max3A_512 : vector<16xf32>
      %sub3A_519 = arith.constant 1.000000e+00 : f32
      %sub3A_520 = vector.broadcast %sub3A_519 : f32 to vector<16xf32>
      %sub3A_521 = arith.subf %sub3A_518, %sub3A_520 : vector<16xf32>
      %max3A_522 = arith.constant 0.000000e+00 : f32
      %max3A_523 = vector.broadcast %max3A_522 : f32 to vector<16xf32>
      %max3A_524 = arith.maximumf %sub3A_521, %max3A_523 : vector<16xf32>
      %add3A_525 = arith.addf %broadcast_in_dim3A_514, %max3A_524 : vector<16xf32>
      %mul3A_526 = arith.constant 2.000000e+00 : f32
      %mul3A_527 = vector.broadcast %mul3A_526 : f32 to vector<16xf32>
      %mul3A_528 = arith.mulf %mul3A_527, %max3A_504 : vector<16xf32>
      %sub3A_529 = arith.subf %mul3A_528, %max3A_512 : vector<16xf32>
      %sub3A_530 = arith.constant 1.000000e+00 : f32
      %sub3A_531 = vector.broadcast %sub3A_530 : f32 to vector<16xf32>
      %sub3A_532 = arith.subf %sub3A_529, %sub3A_531 : vector<16xf32>
      %max3A_533 = arith.constant 0.000000e+00 : f32
      %max3A_534 = vector.broadcast %max3A_533 : f32 to vector<16xf32>
      %max3A_535 = arith.maximumf %sub3A_532, %max3A_534 : vector<16xf32>
      %add3A_536 = arith.addf %add3A_525, %max3A_535 : vector<16xf32>
      %mul3A_537 = arith.constant 2.000000e+00 : f32
      %mul3A_538 = vector.broadcast %mul3A_537 : f32 to vector<16xf32>
      %mul3A_539 = arith.mulf %mul3A_538, %max3A_506 : vector<16xf32>
      %sub3A_540 = arith.subf %mul3A_539, %max3A_512 : vector<16xf32>
      %sub3A_541 = arith.constant 1.000000e+00 : f32
      %sub3A_542 = vector.broadcast %sub3A_541 : f32 to vector<16xf32>
      %sub3A_543 = arith.subf %sub3A_540, %sub3A_542 : vector<16xf32>
      %max3A_544 = arith.constant 0.000000e+00 : f32
      %max3A_545 = vector.broadcast %max3A_544 : f32 to vector<16xf32>
      %max3A_546 = arith.maximumf %sub3A_543, %max3A_545 : vector<16xf32>
      %add3A_547 = arith.addf %add3A_536, %max3A_546 : vector<16xf32>
      %mul3A_548 = arith.constant 2.000000e+00 : f32
      %mul3A_549 = vector.broadcast %mul3A_548 : f32 to vector<16xf32>
      %mul3A_550 = arith.mulf %mul3A_549, %max3A_508 : vector<16xf32>
      %sub3A_551 = arith.subf %mul3A_550, %max3A_512 : vector<16xf32>
      %sub3A_552 = arith.constant 1.000000e+00 : f32
      %sub3A_553 = vector.broadcast %sub3A_552 : f32 to vector<16xf32>
      %sub3A_554 = arith.subf %sub3A_551, %sub3A_553 : vector<16xf32>
      %max3A_555 = arith.constant 0.000000e+00 : f32
      %max3A_556 = vector.broadcast %max3A_555 : f32 to vector<16xf32>
      %max3A_557 = arith.maximumf %sub3A_554, %max3A_556 : vector<16xf32>
      %add3A_558 = arith.addf %add3A_547, %max3A_557 : vector<16xf32>
      %mul3A_559 = arith.constant 2.000000e+00 : f32
      %mul3A_560 = vector.broadcast %mul3A_559 : f32 to vector<16xf32>
      %mul3A_561 = arith.mulf %mul3A_560, %max3A_510 : vector<16xf32>
      %sub3A_562 = arith.subf %mul3A_561, %max3A_512 : vector<16xf32>
      %sub3A_563 = arith.constant 1.000000e+00 : f32
      %sub3A_564 = vector.broadcast %sub3A_563 : f32 to vector<16xf32>
      %sub3A_565 = arith.subf %sub3A_562, %sub3A_564 : vector<16xf32>
      %max3A_566 = arith.constant 0.000000e+00 : f32
      %max3A_567 = vector.broadcast %max3A_566 : f32 to vector<16xf32>
      %max3A_568 = arith.maximumf %sub3A_565, %max3A_567 : vector<16xf32>
      %add3A_569 = arith.addf %add3A_558, %max3A_568 : vector<16xf32>
      %mul3A_570 = arith.constant 2.000000e+00 : f32
      %mul3A_571 = vector.broadcast %mul3A_570 : f32 to vector<16xf32>
      %mul3A_572 = arith.mulf %mul3A_571, %max3A_512 : vector<16xf32>
      %sub3A_573 = arith.subf %mul3A_572, %max3A_512 : vector<16xf32>
      %sub3A_574 = arith.constant 1.000000e+00 : f32
      %sub3A_575 = vector.broadcast %sub3A_574 : f32 to vector<16xf32>
      %sub3A_576 = arith.subf %sub3A_573, %sub3A_575 : vector<16xf32>
      %max3A_577 = arith.constant 0.000000e+00 : f32
      %max3A_578 = vector.broadcast %max3A_577 : f32 to vector<16xf32>
      %max3A_579 = arith.maximumf %sub3A_576, %max3A_578 : vector<16xf32>
      %add3A_580 = arith.addf %add3A_569, %max3A_579 : vector<16xf32>
      %mul3A_581 = arith.constant 2.000000e+00 : f32
      %mul3A_582 = vector.broadcast %mul3A_581 : f32 to vector<16xf32>
      %mul3A_583 = arith.mulf %mul3A_582, %add3A_410 : vector<16xf32>
      %sub3A_584 = arith.subf %mul3A_583, %add3A_580 : vector<16xf32>
      %mul3A_585 = arith.constant 1.024000e+03 : f32
      %mul3A_586 = vector.broadcast %mul3A_585 : f32 to vector<16xf32>
      %mul3A_587 = arith.mulf %mul3A_586, %max3A_512 : vector<16xf32>
      %sub3A_588 = arith.subf %sub3A_584, %mul3A_587 : vector<16xf32>
      %max3A_589 = arith.constant 0.000000e+00 : f32
      %max3A_590 = vector.broadcast %max3A_589 : f32 to vector<16xf32>
      %max3A_591 = arith.maximumf %max3A_512, %max3A_590 : vector<16xf32>
      %mul3A_592 = arith.constant 1.024000e+03 : f32
      %mul3A_593 = vector.broadcast %mul3A_592 : f32 to vector<16xf32>
      %mul3A_594 = arith.mulf %mul3A_593, %max3A_591 : vector<16xf32>
      %sub3A_595 = arith.subf %sub3A_588, %mul3A_594 : vector<16xf32>
      %reduce_sum3A = arith.constant true
      %reduce_sum3A_596 = vector.broadcast %reduce_sum3A : i1 to vector<16xi1>
      %reduce_sum3A_597 = tpu.scan <sum>, %sub3A_595 masked %reduce_sum3A_596 : vector<16xf32>, vector<16xi1> -> vector<16xf32>
      %reduce_sum3A_598 = vector.extract %reduce_sum3A_597[15] : f32 from vector<16xf32>
      %broadcast_in_dim3A_599 = vector.broadcast %reduce_sum3A_598 : f32 to vector<16xf32>
      %swap3A_600 = arith.constant 0 : i32
      %swap3A_601 = arith.index_cast %swap3A_600 : i32 to index
      %swap3A_602 = arith.constant 0 : index
      %swap3A_603 = tpu.vector_load %arg5[%swap3A_601, %swap3A_602] {strides = array<i32>} : memref<7x16xf32, #tpu.memory_space<vmem>>, vector<16xf32>,
      tpu.vector_store %arg5[%swap3A_601, %swap3A_602], %broadcast_in_dim3A_599 {strides = array<i32>} : memref<7x16xf32, #tpu.memory_space<vmem>>, vector<16xf32>,
      %run_scoped3A = arith.constant 0 : i32
      "tpu.region"() ({
        %run_scoped3A_604 = tpu.sem_alloc : memref<!tpu.dma_semaphore, #tpu.memory_space<semaphore_mem>>
        %dma_start3A = arith.constant 0 : i32
        %dma_start3A_605 = tpu.memref_slice %arg5[%run_scoped3A, %dma_start3A] : memref<7x16xf32, #tpu.memory_space<vmem>> -> memref<1x16xf32, #tpu.memory_space<vmem>>
        %dma_start3A_606 = tpu.memref_squeeze %dma_start3A_605 : memref<1x16xf32, #tpu.memory_space<vmem>> -> memref<16xf32, #tpu.memory_space<vmem>>
        %dma_start3A_607 = arith.constant 0 : i32
        %dma_start3A_608 = tpu.memref_slice %arg9[%select_n3A, %dma_start3A_607] : memref<4x16xf32, #tpu.memory_space<vmem_shared>> -> memref<1x16xf32, #tpu.memory_space<vmem_shared>>
        %dma_start3A_609 = tpu.memref_squeeze %dma_start3A_608 : memref<1x16xf32, #tpu.memory_space<vmem_shared>> -> memref<16xf32, #tpu.memory_space<vmem_shared>>
        %dma_start3A_610 = arith.constant 0 : i32
        %dma_start3A_611 = tpu.memref_slice %arg9[%select_n3A, %dma_start3A_610] : memref<4x16xf32, #tpu.memory_space<vmem_shared>> -> memref<1x16xf32, #tpu.memory_space<vmem_shared>>
        %dma_start3A_612 = tpu.memref_squeeze %dma_start3A_611 : memref<1x16xf32, #tpu.memory_space<vmem_shared>> -> memref<16xf32, #tpu.memory_space<vmem_shared>>
        %dma_start3A_613 = arith.constant 0 : i32
        %dma_start3A_614 = tpu.memref_slice %arg5[%run_scoped3A, %dma_start3A_613] : memref<7x16xf32, #tpu.memory_space<vmem>> -> memref<1x16xf32, #tpu.memory_space<vmem>>
        %dma_start3A_615 = tpu.memref_squeeze %dma_start3A_614 : memref<1x16xf32, #tpu.memory_space<vmem>> -> memref<16xf32, #tpu.memory_space<vmem>>
        tpu.enqueue_dma source(%dma_start3A_615 : memref<16xf32, #tpu.memory_space<vmem>>) target(%dma_start3A_612 : memref<16xf32, #tpu.memory_space<vmem_shared>>) target_semaphore(%run_scoped3A_604 : memref<!tpu.dma_semaphore, #tpu.memory_space<semaphore_mem>>)
        %dma_wait3A = arith.constant 0 : i32
        %dma_wait3A_616 = tpu.memref_slice %arg5[%run_scoped3A, %dma_wait3A] : memref<7x16xf32, #tpu.memory_space<vmem>> -> memref<1x16xf32, #tpu.memory_space<vmem>>
        %dma_wait3A_617 = tpu.memref_squeeze %dma_wait3A_616 : memref<1x16xf32, #tpu.memory_space<vmem>> -> memref<16xf32, #tpu.memory_space<vmem>>
        %dma_wait3A_618 = arith.constant 0 : i32
        %dma_wait3A_619 = tpu.memref_slice %arg9[%select_n3A, %dma_wait3A_618] : memref<4x16xf32, #tpu.memory_space<vmem_shared>> -> memref<1x16xf32, #tpu.memory_space<vmem_shared>>
        %dma_wait3A_620 = tpu.memref_squeeze %dma_wait3A_619 : memref<1x16xf32, #tpu.memory_space<vmem_shared>> -> memref<16xf32, #tpu.memory_space<vmem_shared>>
        %dma_wait3A_621 = arith.constant 0 : i32
        %dma_wait3A_622 = tpu.memref_slice %arg9[%select_n3A, %dma_wait3A_621] : memref<4x16xf32, #tpu.memory_space<vmem_shared>> -> memref<1x16xf32, #tpu.memory_space<vmem_shared>>
        %dma_wait3A_623 = tpu.memref_squeeze %dma_wait3A_622 : memref<1x16xf32, #tpu.memory_space<vmem_shared>> -> memref<16xf32, #tpu.memory_space<vmem_shared>>
        %dma_wait3A_624 = arith.constant 0 : i32
        %dma_wait3A_625 = tpu.memref_slice %arg5[%run_scoped3A, %dma_wait3A_624] : memref<7x16xf32, #tpu.memory_space<vmem>> -> memref<1x16xf32, #tpu.memory_space<vmem>>
        %dma_wait3A_626 = tpu.memref_squeeze %dma_wait3A_625 : memref<1x16xf32, #tpu.memory_space<vmem>> -> memref<16xf32, #tpu.memory_space<vmem>>
        tpu.wait_dma2 semaphore(%run_scoped3A_604 : memref<!tpu.dma_semaphore, #tpu.memory_space<semaphore_mem>>) src(%dma_wait3A_626 : memref<16xf32, #tpu.memory_space<vmem>>) dst(%dma_wait3A_623 : memref<16xf32, #tpu.memory_space<vmem_shared>>)
        tpu.yield
      }) : () -> ()
    } else {
    }
    %barrier3A_70 = arith.constant 0 : index
    tpu.barrier barrier_id(%barrier3A_70)
    %eq3A_71 = arith.constant 0 : i32
    %eq3A_72 = arith.cmpi eq, %arg1, %eq3A_71 : i32
    %convert_element_type3A_73 = arith.extui %eq3A_72 : i1 to i32
    %cond3A_74 = arith.constant 0 : i32
    %cond3A_75 = arith.cmpi ne, %convert_element_type3A_73, %cond3A_74 : i32
    scf.if %cond3A_75 {
      "tpu.region"() ({
        %run_scoped3A_104 = tpu.sem_alloc : memref<!tpu.dma_semaphore, #tpu.memory_space<semaphore_mem>>
        tpu.enqueue_dma source(%arg9 : memref<4x16xf32, #tpu.memory_space<vmem_shared>>) target(%arg7 : memref<4x16xf32, #tpu.memory_space<vmem>>) target_semaphore(%run_scoped3A_104 : memref<!tpu.dma_semaphore, #tpu.memory_space<semaphore_mem>>)
        tpu.wait_dma2 semaphore(%run_scoped3A_104 : memref<!tpu.dma_semaphore, #tpu.memory_space<semaphore_mem>>) src(%arg9 : memref<4x16xf32, #tpu.memory_space<vmem_shared>>) dst(%arg7 : memref<4x16xf32, #tpu.memory_space<vmem>>)
        tpu.yield
      }) : () -> ()
      %get3A = arith.constant 0 : i32
      %get3A_76 = arith.index_cast %get3A : i32 to index
      %get3A_77 = arith.constant 0 : index
      %get3A_78 = tpu.vector_load %arg7[%get3A_76, %get3A_77] {strides = array<i32>} : memref<4x16xf32, #tpu.memory_space<vmem>>, vector<16xf32>,
      %get3A_79 = arith.constant 1 : i32
      %get3A_80 = arith.index_cast %get3A_79 : i32 to index
      %get3A_81 = arith.constant 0 : index
      %get3A_82 = tpu.vector_load %arg7[%get3A_80, %get3A_81] {strides = array<i32>} : memref<4x16xf32, #tpu.memory_space<vmem>>, vector<16xf32>,
      %add3A_83 = arith.addf %get3A_78, %get3A_82 : vector<16xf32>
      %get3A_84 = arith.constant 2 : i32
      %get3A_85 = arith.index_cast %get3A_84 : i32 to index
      %get3A_86 = arith.constant 0 : index
      %get3A_87 = tpu.vector_load %arg7[%get3A_85, %get3A_86] {strides = array<i32>} : memref<4x16xf32, #tpu.memory_space<vmem>>, vector<16xf32>,
      %add3A_88 = arith.addf %add3A_83, %get3A_87 : vector<16xf32>
      %get3A_89 = arith.constant 3 : i32
      %get3A_90 = arith.index_cast %get3A_89 : i32 to index
      %get3A_91 = arith.constant 0 : index
      %get3A_92 = tpu.vector_load %arg7[%get3A_90, %get3A_91] {strides = array<i32>} : memref<4x16xf32, #tpu.memory_space<vmem>>, vector<16xf32>,
      %add3A_93 = arith.addf %add3A_88, %get3A_92 : vector<16xf32>
      %mul3A_94 = arith.constant 9.765625E-4 : f32
      %mul3A_95 = vector.broadcast %mul3A_94 : f32 to vector<16xf32>
      %mul3A_96 = arith.mulf %add3A_93, %mul3A_95 : vector<16xf32>
      %add3A_97 = arith.constant 15.2449322 : f32
      %add3A_98 = vector.broadcast %add3A_97 : f32 to vector<16xf32>
      %add3A_99 = arith.addf %mul3A_96, %add3A_98 : vector<16xf32>
      %swap3A_100 = arith.constant 0 : i32
      %swap3A_101 = arith.index_cast %swap3A_100 : i32 to index
      %swap3A_102 = arith.constant 0 : index
      %swap3A_103 = tpu.vector_load %arg5[%swap3A_101, %swap3A_102] {strides = array<i32>} : memref<7x16xf32, #tpu.memory_space<vmem>>, vector<16xf32>,
      tpu.vector_store %arg5[%swap3A_101, %swap3A_102], %add3A_99 {strides = array<i32>} : memref<7x16xf32, #tpu.memory_space<vmem>>, vector<16xf32>,
      %run_scoped3A = arith.constant 0 : i32
      "tpu.region"() ({
        %run_scoped3A_104 = tpu.sem_alloc : memref<!tpu.dma_semaphore, #tpu.memory_space<semaphore_mem>>
        %dma_start3A = arith.constant 0 : i32
        %dma_start3A_105 = tpu.memref_slice %arg5[%run_scoped3A, %dma_start3A] : memref<7x16xf32, #tpu.memory_space<vmem>> -> memref<1x16xf32, #tpu.memory_space<vmem>>
        %dma_start3A_106 = tpu.memref_squeeze %dma_start3A_105 : memref<1x16xf32, #tpu.memory_space<vmem>> -> memref<16xf32, #tpu.memory_space<vmem>>
        %dma_start3A_107 = arith.constant 0 : i32
        %dma_start3A_108 = tpu.memref_slice %arg5[%run_scoped3A, %dma_start3A_107] : memref<7x16xf32, #tpu.memory_space<vmem>> -> memref<1x16xf32, #tpu.memory_space<vmem>>
        %dma_start3A_109 = tpu.memref_squeeze %dma_start3A_108 : memref<1x16xf32, #tpu.memory_space<vmem>> -> memref<16xf32, #tpu.memory_space<vmem>>
        tpu.enqueue_dma source(%dma_start3A_109 : memref<16xf32, #tpu.memory_space<vmem>>) target(%arg3 : memref<16xf32, #tpu.memory_space<hbm>>) target_semaphore(%run_scoped3A_104 : memref<!tpu.dma_semaphore, #tpu.memory_space<semaphore_mem>>)
        %dma_wait3A = arith.constant 0 : i32
        %dma_wait3A_110 = tpu.memref_slice %arg5[%run_scoped3A, %dma_wait3A] : memref<7x16xf32, #tpu.memory_space<vmem>> -> memref<1x16xf32, #tpu.memory_space<vmem>>
        %dma_wait3A_111 = tpu.memref_squeeze %dma_wait3A_110 : memref<1x16xf32, #tpu.memory_space<vmem>> -> memref<16xf32, #tpu.memory_space<vmem>>
        %dma_wait3A_112 = arith.constant 0 : i32
        %dma_wait3A_113 = tpu.memref_slice %arg5[%run_scoped3A, %dma_wait3A_112] : memref<7x16xf32, #tpu.memory_space<vmem>> -> memref<1x16xf32, #tpu.memory_space<vmem>>
        %dma_wait3A_114 = tpu.memref_squeeze %dma_wait3A_113 : memref<1x16xf32, #tpu.memory_space<vmem>> -> memref<16xf32, #tpu.memory_space<vmem>>
        tpu.wait_dma2 semaphore(%run_scoped3A_104 : memref<!tpu.dma_semaphore, #tpu.memory_space<semaphore_mem>>) src(%dma_wait3A_114 : memref<16xf32, #tpu.memory_space<vmem>>) dst(%arg3 : memref<16xf32, #tpu.memory_space<hbm>>)
        tpu.yield
      }) : () -> ()
    } else {
    }
    return
  }
}

</mosaic_0001>

<sc_bundles>
// kernel: kernel.3.cloned.1.call-start
scs
__scs_entry_jumppad:
0x0: {  	(pc) =	sbr.rel $0x88, $3  }
0x1: {  	(tag) =	ssettag $0x0;
	lr =	simm.s32 $0x1  }
0x2: {  	[smem:$0x3FA0] =	sst lr;
	_ =	strace $0xD0000000  }
0x3: {  	_ = 	snop  }
0x4: {  	_ = 	snop  }
0x5: {  	_ = 	snop  }
0x6: {  	_ = 	snop  }
0x7: {  	_ = 	snop  }
__scs_overlays_trampoline_lowered:
0x8: {  	[smem:$0x3FAF] =	sst s0  }
0x9: {  	[smem:$0x3FB0] =	sst s1  }
0xa: {  	[smem:$0x3FB1] =	sst s2  }
0xb: {  	[smem:$0x3FB2] =	sst s3  }
0xc: {  	[smem:$0x3FB3] =	sst s4  }
0xd: {  	[smem:$0x3FB4] =	sst s5  }
0xe: {  	[smem:$0x3FB5] =	sst s6  }
0xf: {  	[smem:$0x3FB6] =	sst s7  }
0x10: {  	[smem:$0x3FB7] =	sst s8  }
0x11: {  	[smem:$0x3FB8] =	sst s9;
	s0 =	simm.s32 @!p0 $0x0  }
0x12: {  	s1 =	sld [smem:$0x3F9E];
	s0 =	simm.s32 @p0 $0x1  }
0x13: {  	[smem:$0x3FB9] =	sst s0;
	s0 =	simm.s32 @!p1 $0x0  }
0x14: {  	s2 =	sld [smem:$0x3F9D];
	s0 =	simm.s32 @p1 $0x1  }
0x15: {  	[smem:$0x3FBA] =	sst s0;
	s0 =	simm.s32 @!p2 $0x0  }
0x16: {  	s3 =	sld [smem:$0x3FDB];
	s0 =	simm.s32 @p2 $0x1  }
0x17: {  	s4 =	simm.s32 $0x1BF5;
	[smem:$0x3FBC] =	sst s0  }
0x18: {  	s0 =	sld [smem:$0x3F9F];
	_ =	swait.ge [sflag:s4], $0x0  }
0x19: {  	s7 =	sld [smem:$0x3FA0]  }
0x1a: {  	s8 =	sadd.s32 $0xFFFFE003, lr  }
0x1b: {  	s9 =	sadd.s32 $0xFFFFFEF7, lr;
	s5 =	simm.s32 $0xFFFFFFFF;
	p2 =	slt.u32 s8, $0xFFFFF086  }
0x1c: {  	p1 =	slt.u32 s9, $0xF7A;
	s5 =	simm.s32 @!p2 $0x0  }
0x1d: {  	s5 =	simm.s32 @p1 $0x1;
	p0 =	seq.s32 s7, s2  }
0x1e: {  	s7 =	smul.u32 @!p0 $0xF7A, s2;
	p2 =	seq.s32 @!p0 s5, $0x0  }
0x1f: {  	s9 =	smul.u32 $0xF7A, s1;
	s8 =	simm.s32 @!p0 $0x1BF5;
	p2 =	por !p2, p0  }
0x20: {  	[sflag:s8] =	ssyncset.s32 @!p0 $0xFFFFF086;
	s6 =	sadd.s32 @!p0 s3, s7;
	s7 =	simm.s32 @!p0 $0x108  }
0x21: {  	s3 =	sadd.s32 s3, s9;
	s6 =	sadd.s32 @!p0 $0x88, s6;
	s7 =	simm.s32 @p2 $0x1082  }
0x22: {  	[simem:s7], [sflag:s8] =	dma.local @!p0 [hbm:s6], $0xF7A  }
0x23: {  	s9 =	sor.u32 $0xD0000000, s2;
	s6 =	simm.s32 $0x108;
	_ =	swait.ge @!p0 [sflag:s8], $0x0  }
0x24: {  	s3 =	sadd.s32 $0x88, s3;
	s6 =	simm.s32 @!p1 $0x1082;
	[sflag:s4] =	ssyncset.s32 $0xFFFFF086  }
0x25: {  	[simem:s6], [sflag:s4] =	dma.local [hbm:s3], $0xF7A  }
0x26: {  	[smem:$0x3FA0] =	sst s1;
	(tag) =	ssettag s2;
	_ =	strace s9  }
0x27: {  	s1 =	sld [smem:$0x3FB0]  }
0x28: {  	s2 =	sld [smem:$0x3FB1]  }
0x29: {  	s4 =	sld [smem:$0x3FB3]  }
0x2a: {  	p0 =	seq.s32 s5, $0x0;
	s5 =	sld [smem:$0x3FB4]  }
0x2b: {  	s6 =	sld [smem:$0x3FB5]  }
0x2c: {  	s7 =	sld [smem:$0x3FB6]  }
0x2d: {  	s3 =	simm.s32 $0x108;
	s8 =	sld [smem:$0x3FB7]  }
0x2e: {  	s3 =	simm.s32 @!p0 $0x1082;
	s9 =	sld [smem:$0x3FB8]  }
0x2f: {  	lr =	sadd.s32 s0, s3;
	s0 =	sld [smem:$0x3FAF]  }
0x30: {  	s3 =	sld [smem:$0x3FB2]  }
0x31: {  	[smem:$0x3FBB] =	sst s10  }
0x32: {  	s10 =	sld [smem:$0x3FB9];
	_ =	sdelay $0x3  }
0x33: {  	p0 =	seq.s32 s10, $0x1;
	s10 =	sld [smem:$0x3FBB];
	_ =	sdelay $0x3  }
0x34: {  	[smem:$0x3FBB] =	sst s10  }
0x35: {  	s10 =	sld [smem:$0x3FBA];
	_ =	sdelay $0x3  }
0x36: {  	p1 =	seq.s32 s10, $0x1;
	s10 =	sld [smem:$0x3FBB];
	_ =	sdelay $0x3  }
0x37: {  	[smem:$0x3FBB] =	sst s10  }
0x38: {  	s10 =	sld [smem:$0x3FBC]  }
0x39: {  	_ = 	snop;
	(pc) =	sbr.ind lr, $3  }
0x3a: {  	_ = 	snop  }
0x3b: {  	_ = 	snop  }
0x3c: {  	p2 =	seq.s32 s10, $0x1;
	s10 =	sld [smem:$0x3FBB]  }
0x3d: {  	_ =	shalt  }
0x3e: {  	_ =	shalt  }
0x3f: {  	_ =	shalt  }
0x40: {  	_ =	shalt  }
0x41: {  	_ =	shalt  }
0x42: {  	_ =	shalt  }
0x43: {  	_ =	shalt  }
0x44: {  	_ =	shalt  }
0x45: {  	_ =	shalt  }
0x46: {  	_ =	shalt  }
0x47: {  	_ =	shalt  }
0x48: {  	_ =	shalt  }
0x49: {  	_ =	shalt  }
0x4a: {  	_ =	shalt  }
0x4b: {  	_ =	shalt  }
0x4c: {  	_ =	shalt  }
0x4d: {  	_ =	shalt  }
0x4e: {  	_ =	shalt  }
0x4f: {  	_ =	shalt  }
0x50: {  	_ =	shalt  }
0x51: {  	_ =	shalt  }
0x52: {  	_ =	shalt  }
0x53: {  	_ =	shalt  }
0x54: {  	_ =	shalt  }
0x55: {  	_ =	shalt  }
0x56: {  	_ =	shalt  }
0x57: {  	_ =	shalt  }
0x58: {  	_ =	shalt  }
0x59: {  	_ =	shalt  }
0x5a: {  	_ =	shalt  }
0x5b: {  	_ =	shalt  }
0x5c: {  	_ =	shalt  }
0x5d: {  	_ =	shalt  }
0x5e: {  	_ =	shalt  }
0x5f: {  	_ =	shalt  }
0x60: {  	_ =	shalt  }
0x61: {  	_ =	shalt  }
0x62: {  	_ =	shalt  }
0x63: {  	_ =	shalt  }
0x64: {  	_ =	shalt  }
0x65: {  	_ =	shalt  }
0x66: {  	_ =	shalt  }
0x67: {  	_ =	shalt  }
0x68: {  	_ =	shalt  }
0x69: {  	_ =	shalt  }
0x6a: {  	_ =	shalt  }
0x6b: {  	_ =	shalt  }
0x6c: {  	_ =	shalt  }
0x6d: {  	_ =	shalt  }
0x6e: {  	_ =	shalt  }
0x6f: {  	_ =	shalt  }
0x70: {  	_ =	shalt  }
0x71: {  	_ =	shalt  }
0x72: {  	_ =	shalt  }
0x73: {  	_ =	shalt  }
0x74: {  	_ =	shalt  }
0x75: {  	_ =	shalt  }
0x76: {  	_ =	shalt  }
0x77: {  	_ =	shalt  }
0x78: {  	_ =	shalt  }
0x79: {  	_ =	shalt  }
0x7a: {  	_ =	shalt  }
0x7b: {  	_ =	shalt  }
0x7c: {  	_ =	shalt  }
0x7d: {  	_ =	shalt  }
0x7e: {  	_ =	shalt  }
0x7f: {  	_ =	shalt  }
0x80: {  	_ =	shalt  }
0x81: {  	_ =	shalt  }
0x82: {  	_ =	shalt  }
0x83: {  	_ =	shalt  }
0x84: {  	_ =	shalt  }
0x85: {  	_ =	shalt  }
0x86: {  	_ =	shalt  }
0x87: {  	_ =	shalt  }
.Lfunc_end0:
.L_simem_size_0:
called_computation_lowered:
.L_overlay_start_0:
0x88: {  	s0 =	sld [smem:$0x3FD9]  }
0x89: {  	s1 =	sld [smem:$0x3FFE];
	_ =	sdelay $0x3  }
0x8a: {  	s0 =	sadd.s32 s1, s0  }
0x8b: {  	[smem:$0x3FC7] =	sst s0  }
0x8c: {  	_ = 	snop  }
0x8d: {  	s0 =	sld [smem:$0x3FD0];
	(tm) =	ssettm $0x1  }
0x8e: {  	s16 =	sld [smem:$0x3FFB];
	_ =	sdelay $0x3  }
0x8f: {  	_ =	strace s16  }
0x90: {  	s1 =	sld [smem:$0x3FFC];
	_ =	sdelay $0x3  }
0x91: {  	_ =	strace s1  }
0x92: {  	s1 =	sld [smem:$0x3FFD];
	_ =	sdelay $0x3  }
0x93: {  	_ =	strace s1  }
0x94: {  	_ =	strace $0x8FFFFFFF  }
0x95: {  	s17 =	sld [smem:$0x3FDB];
	_ =	sdelay $0x1  }
0x96: {  	s2 =	simm.s32 $_scs_section_size  }
0x97: {  	s3 =	simm.s32 $_size__tile_overlayer_lowered;
	s4 =	simm.s32 $_tile_overlayer_lowered  }
0x98: {  	s20 =	simm.s32 $0x1BFF;
	s19 =	sshll.u32 s4, $0x1;
	s1 =	sadd.s32 s2, s17  }
0x99: {  	s5 =	simm.s32 $0x0;
	s18 =	sshll.u32 s3, $0x1;
	s3 =	sadd.s32 s19, s1  }
0x9a: {  	[timem:s5], [sflag:s20] =	dma.local [hbm:s3], s18  }
0x9b: {  	_ =	swait.ge [sflag:s20], s18  }
0x9c: {  	s2 =	ssub.s32 $0x0, s18;
	[sflag:s20] =	ssyncset.done $0x0  }
0x9d: {  	[sflag:s20] =	ssyncadd.s32 s2;
	_ =	sdelay $0x1  }
0x9e: {  	s21 =	simm.s32 $0x1B8B  }
0x9f: {  	_ =	swait.ge [sflag:s21], $0x1  }
0xa0: {  	[sflag:s21] =	ssyncset.done $0x0  }
0xa1: {  	s23 =	simm.s32 $0x1B8E;
	s22 =	sld [smem:$0x3FFE];
	[sflag:s21] =	ssyncadd.s32 $0xFFFFFFFF  }
0xa2: {  	s24 =	simm.s32 $execute0_lowered;
	[smem:$0x3FD2] =	sst s23  }
0xa3: {  	s3 =	sshll.u32 s24, $0x1;
	_ =	strace $0x80000046;
	[dreg:$0x1] =	wrdreg $0xFFFFFFFF  }
0xa4: {  	s25 =	simm.s32 $_size_execute0_lowered;
	s1 =	sadd.s32 s1, s3;
	[dreg:$0x0] =	wrdreg $0x0  }
0xa5: {  	s3 =	sshll.u32 s25, $0x1;
	[dreg:$0x2] =	wrdreg s1  }
0xa6: {  	[dreg:$0x3] =	wrdreg s3  }
0xa7: {  	[dreg:$0x4] =	wrdreg $0xC0  }
0xa8: {  	_ =	task [dreg:s5], $0x5FFFF  }
0xa9: {  	[dreg:$0x1] =	wrdreg $0xFFFFFFFF  }
0xaa: {  	[dreg:$0x0] =	wrdreg $0x60  }
0xab: {  	[dreg:$0x2] =	wrdreg s22  }
0xac: {  	[dreg:$0x3] =	wrdreg s0  }
0xad: {  	[dreg:$0x4] =	wrdreg $0x12700  }
0xae: {  	[dreg:$0x5] =	wrdreg $0x12E00  }
0xaf: {  	[dreg:$0x6] =	wrdreg $0x9  }
0xb0: {  	_ =	task.clear_ibuf [dreg:s5], $0x7FFFF;
	_ =	strace $0x90000046  }
0xb1: {  	s26 =	simm.s32 $0x9;
	_ =	strace $0x80000048  }
0xb2: {  	_ =	swait.ge [sflag:s26], $0x1  }
0xb3: {  	[sflag:s26] =	ssyncadd.s32 $0xFFFFFFFF  }
0xb4: {  	_ =	strace $0x90000048  }
0xb5: {  	_ =	sfence  }
0xb6: {  	s28 =	sld [smem:$0x0];
	_ =	sdelay $0x1  }
0xb7: {  	s29 =	srdreg.scid  }
0xb8: {  	s30 =	sshll.u32 s29, $0xD;
	s31 =	sshrl.u32 s29, $0x2  }
0xb9: {  	s2 =	sand.u32 $0x4000, s30;
	s1 =	sand.u32 $0x1, s29;
	s0 =	sadd.s32 s31, s28  }
0xba: {  	s1 =	sor.u32 s2, s1;
	s0 =	sshll.u32 s0, $0x11  }
0xbb: {  	s0 =	sor.u32 s0, s1  }
0xbc: {  	s0 =	sadd.s32 $0x8F2B, s0  }
0xbd: {  	[sflag:s0] =	ssyncadd.remote.s32 $0x1  }
0xbe: {  	_ =	sfence.sel $0xFFFF  }
0xbf: {  	[dreg:$0x0] =	wrdreg $0xFFFFFFFF;
	(pc) =	sbr.abs _section_cstart, $3  }
0xc0: {  	[dreg:$0x1] =	wrdreg $0xFFFFFFFF  }
0xc1: {  	_ =	task.clear_ibuf [dreg:s5], $0x2FFFF;
	_ =	strace $0x9FFFFFFF  }
0xc2: {  	(tm) =	ssettm $0x7FFFFFFF  }
0xc3: {  	_ =	shalt  }
tec
execute0_lowered:
.L_overlay_start_1:
0x0: {  	(tag) =	ssettag $0x1  }
0x1: {  	s8 =	rddreg [dreg:$0x0]  }
0x2: {  	s1 =	rddreg [dreg:$0x1];
	s6 =	stileid.u32  }
0x3: {  	s4 =	rddreg [dreg:$0x2];
	s5 =	sshrl.u32 s6, $0x2;
	s7 =	sand.u32 $0x3, s6  }
0x4: {  	s2 =	rddreg [dreg:$0x3];
	s3 =	sshll.u32 s5, $0x4;
	s9 =	sshll.u32 s7, $0xE  }
0x5: {  	s0 =	rddreg [dreg:$0x4];
	s9 =	sor.u32 s3, s9  }
0x6: {  	s10 =	simm.s32 $0x0;
	s29 =	simm.s32 $0x10;
	s9 =	sshrl.u32 s9, $0x3  }
0x7: {  	s11 =	simm.s32 $0x40;
	[smem:$0x7FF] =	sst s10;
	s8 =	sadd.s32 s9, s8  }
0x8: {  	s30 =	simm.s32 $0x1;
	_ =	strace $0x80000047;
	s8 =	sadd.s32 $0x400, s8  }
0x9: {  	[tilespmem:s10], [sflag:$0x1] =	stream.strided.gather [hbm4b:s8+s29], $0x1000, s11, s29, $0x38;
	[tilespmem:$0x12E8] =	vst v63  }
0xa: {  	_ =	swait.ge [sflag:s30], $0x1000  }
0xb: {  	[sflag:s30] =	ssyncset.done $0x0  }
0xc: {  	s31 =	simm.s32 $0x0;
	[sflag:s30] =	ssyncadd.s32 $0xFFFFF000  }
0xd: {  	v0 =	vld [tilespmem:s31+$0x0]  }
0xe: {  	v1 =	vld [tilespmem:s31+$0x10];
	_ =	sdelay $0x2  }
0xf: {  	v2 =	vimm.f32 $0.0e+00;
	v3 =	vimm.f32 $-1.000000020e+30;
	v4 =	vld [tilespmem:s31+$0x20]  }
0x10: {  	v2 =	vadd.f32 v0, v2;
	v5 =	vmax.f32 v3, v0;
	v0 =	vmin.f32 v3, v0  }
0x11: {  	v6 =	vmax.f32 v3, v0;
	v0 =	vmin.f32 v3, v0;
	v7 =	vmax.f32 v5, v1  }
0x12: {  	v8 =	vld [tilespmem:s31+$0x30];
	v9 =	vmax.f32 v3, v0;
	v2 =	vadd.f32 v1, v2;
	v1 =	vmin.f32 v5, v1  }
0x13: {  	v0 =	vmin.f32 v3, v0;
	v5 =	vmax.f32 v6, v1;
	v1 =	vmin.f32 v6, v1  }
0x14: {  	v6 =	vld [tilespmem:s31+$0x40];
	v10 =	vmax.f32 v3, v0;
	v0 =	vmin.f32 v3, v0;
	v2 =	vadd.f32 v4, v2  }
0x15: {  	v11 =	vmin.f32 v3, v0;
	v12 =	vmax.f32 v9, v1;
	v1 =	vmin.f32 v9, v1  }
0x16: {  	v9 =	vld [tilespmem:s31+$0x50];
	v0 =	vmax.f32 v3, v0;
	v11 =	vmax.f32 v3, v11;
	v13 =	vmax.f32 v10, v1  }
0x17: {  	v3 =	vmax.f32 v7, v4;
	v4 =	vmin.f32 v7, v4;
	v2 =	vadd.f32 v8, v2  }
0x18: {  	v14 =	vld [tilespmem:s31+$0x60];
	v1 =	vmin.f32 v10, v1;
	v7 =	vmax.f32 v5, v4;
	v15 =	vmax.f32 v3, v8  }
0x19: {  	v4 =	vmin.f32 v5, v4;
	v3 =	vmin.f32 v3, v8;
	v2 =	vadd.f32 v6, v2  }
0x1a: {  	v8 =	vld [tilespmem:s31+$0x70];
	v16 =	vmin.f32 v12, v4;
	v17 =	vmax.f32 v7, v3;
	v4 =	vmax.f32 v12, v4  }
0x1b: {  	v3 =	vmin.f32 v7, v3;
	v5 =	vmax.f32 v15, v6;
	v2 =	vadd.f32 v9, v2  }
0x1c: {  	v6 =	vmin.f32 v15, v6;
	v15 =	vld [tilespmem:s31+$0x80];
	v47 =	vmax.f32 v4, v3;
	v3 =	vmin.f32 v4, v3  }
0x1d: {  	v18 =	vmax.f32 v5, v9;
	v5 =	vmin.f32 v5, v9;
	v2 =	vadd.f32 v14, v2  }
0x1e: {  	v10 =	vld [tilespmem:s31+$0x90];
	v12 =	vmax.f32 v17, v6;
	v6 =	vmin.f32 v17, v6;
	v9 =	vmax.f32 v0, v1  }
0x1f: {  	v0 =	vmin.f32 v0, v1;
	v1 =	vmin.f32 v18, v14;
	v2 =	vadd.f32 v8, v2  }
0x20: {  	v19 =	vld [tilespmem:s31+$0xA0];
	v20 =	vmin.f32 v12, v5;
	v4 =	vmax.f32 v12, v5;
	v48 =	vmax.f32 v47, v6  }
0x21: {  	v6 =	vmin.f32 v47, v6;
	v14 =	vmax.f32 v18, v14;
	v2 =	vadd.f32 v15, v2  }
0x22: {  	v0 =	vmax.f32 v11, v0;
	v18 =	vmax.f32 v14, v8;
	v8 =	vmin.f32 v14, v8;
	v14 =	vld [tilespmem:s31+$0xB0]  }
0x23: {  	v11 =	vmax.f32 v13, v16;
	v7 =	vmax.f32 v18, v15;
	v2 =	vadd.f32 v10, v2  }
0x24: {  	v12 =	vld [tilespmem:s31+$0xC0];
	v51 =	vmin.f32 v48, v20;
	v5 =	vmax.f32 v7, v10;
	v7 =	vmin.f32 v7, v10  }
0x25: {  	v15 =	vmin.f32 v18, v15;
	v49 =	vmax.f32 v5, v19;
	v2 =	vadd.f32 v19, v2  }
0x26: {  	v21 =	vld [tilespmem:s31+$0xD0];
	v5 =	vmin.f32 v5, v19;
	v10 =	vmin.f32 v13, v16;
	v13 =	vmax.f32 v11, v3  }
0x27: {  	v3 =	vmin.f32 v11, v3;
	v22 =	vmin.f32 v9, v10;
	v2 =	vadd.f32 v14, v2  }
0x28: {  	v23 =	vld [tilespmem:s31+$0xE0];
	v52 =	vmin.f32 v13, v6;
	v9 =	vmax.f32 v9, v10;
	v10 =	vmin.f32 v4, v1  }
0x29: {  	v6 =	vmax.f32 v13, v6;
	v1 =	vmax.f32 v4, v1;
	v2 =	vadd.f32 v12, v2  }
0x2a: {  	v24 =	vld [tilespmem:s31+$0xF0];
	v50 =	vmax.f32 v0, v22;
	v0 =	vmax.f32 v49, v14;
	v54 =	vmax.f32 v9, v3  }
0x2b: {  	v55 =	vmax.f32 v6, v51;
	v3 =	vmin.f32 v9, v3;
	v2 =	vadd.f32 v21, v2  }
0x2c: {  	v53 =	vmax.f32 v0, v12;
	v3 =	vmax.f32 v50, v3;
	v16 =	vmax.f32 v54, v52  }
0x2d: {  	v14 =	vmin.f32 v49, v14;
	v11 =	vmin.f32 v53, v21;
	v2 =	vadd.f32 v23, v2  }
0x2e: {  	v17 =	vmax.f32 v53, v21;
	v12 =	vmin.f32 v0, v12;
	v0 =	vmax.f32 v48, v20  }
0x2f: {  	v13 =	vmin.f32 v0, v10;
	v4 =	vmax.f32 v0, v10;
	v0 =	vadd.f32 v24, v2  }
0x30: {  	v2 =	vmin.f32 v6, v51;
	v6 =	vmax.f32 v1, v8;
	v1 =	vmin.f32 v1, v8  }
0x31: {  	v10 =	vmax.f32 v55, v13;
	v8 =	vmin.f32 v54, v52;
	v9 =	vmax.f32 v4, v1  }
0x32: {  	v1 =	vmin.f32 v4, v1;
	v4 =	vmin.f32 v16, v2;
	v56 =	vmax.f32 v6, v15  }
0x33: {  	v6 =	vmin.f32 v6, v15;
	v3 =	vmax.f32 v3, v8;
	v2 =	vmax.f32 v16, v2  }
0x34: {  	v8 =	vmax.f32 v9, v6;
	v6 =	vmin.f32 v9, v6;
	v9 =	vmin.f32 v55, v13  }
0x35: {  	v13 =	vmax.f32 v56, v7;
	v7 =	vmin.f32 v56, v7;
	v15 =	vmax.f32 v10, v1  }
0x36: {  	v1 =	vmin.f32 v10, v1;
	v4 =	vmax.f32 v3, v4;
	v57 =	vmax.f32 v8, v7  }
0x37: {  	v58 =	vmin.f32 v2, v9;
	v7 =	vmin.f32 v8, v7;
	v8 =	vmax.f32 v13, v5  }
0x38: {  	v2 =	vmax.f32 v2, v9;
	v9 =	vmax.f32 v15, v6;
	v5 =	vmin.f32 v13, v5  }
0x39: {  	v6 =	vmin.f32 v15, v6;
	v10 =	vmin.f32 v9, v7;
	v13 =	vmax.f32 v8, v14  }
0x3a: {  	v8 =	vmin.f32 v8, v14;
	v15 =	vmax.f32 v9, v7;
	v7 =	vmax.f32 v57, v5  }
0x3b: {  	v16 =	vmin.f32 v57, v5;
	v5 =	vmin.f32 v2, v1;
	v59 =	vmax.f32 v2, v1  }
0x3c: {  	v2 =	vmax.f32 v17, v23;
	v4 =	vmax.f32 v4, v58;
	v14 =	vmax.f32 v13, v12  }
0x3d: {  	v9 =	vmax.f32 v7, v8;
	v12 =	vmin.f32 v13, v12;
	v13 =	vmin.f32 v7, v8  }
0x3e: {  	v60 =	vmax.f32 v15, v16;
	v1 =	vmax.f32 v2, v24;
	v2 =	vmin.f32 v2, v24  }
0x3f: {  	v5 =	vmax.f32 v4, v5;
	v61 =	vmax.f32 v59, v6;
	v6 =	vmin.f32 v59, v6  }
0x40: {  	v7 =	vmax.f32 v9, v12;
	v8 =	vmin.f32 v14, v11;
	v11 =	vmax.f32 v14, v11  }
0x41: {  	v12 =	vmin.f32 v9, v12;
	v5 =	vmax.f32 v5, v6;
	v6 =	vmin.f32 v61, v10  }
0x42: {  	v3 =	vmin.f32 v7, v8;
	v14 =	vmax.f32 v7, v8;
	v7 =	vmin.f32 v17, v23  }
0x43: {  	v10 =	vmax.f32 v61, v10;
	v63 =	vmax.f32 v5, v6;
	v62 =	vmin.f32 v11, v7  }
0x44: {  	v4 =	vmax.f32 v11, v7;
	v11 =	vmax.f32 v60, v13;
	v13 =	vmin.f32 v60, v13  }
0x45: {  	v7 =	vmax.f32 v11, v12;
	v5 =	vmax.f32 v14, v62;
	v9 =	vmin.f32 v14, v62  }
0x46: {  	v6 =	vmin.f32 v4, v2;
	v14 =	vmin.f32 v15, v16;
	v12 =	vmin.f32 v11, v12  }
0x47: {  	v8 =	vmax.f32 v7, v3;
	v15 =	vmax.f32 v10, v14;
	v10 =	vmin.f32 v10, v14  }
0x48: {  	v10 =	vmax.f32 v63, v10;
	v14 =	vmax.f32 v15, v13;
	v11 =	vmin.f32 v15, v13  }
0x49: {  	s8 =	simm.s32 $0x400;
	v11 =	vmax.f32 v10, v11;
	v10 =	vmax.f32 v14, v12;
	v12 =	vmin.f32 v14, v12  }
.LBB2_1:
0x4a: {  	s9 =	sshra.s32 s8, $0x2;
	p0 =	sne.s32 s8, $0x3C00;
	s8 =	sadd.s32 $0x400, s8;
	v13 =	vmax.f32 v8, v9;
	v8 =	vmin.f32 v8, v9;
	v9 =	vmin.f32 v5, v6  }
0x4b: {  	v3 =	vmin.f32 v7, v3;
	v14 =	vld [tilespmem:s9+$0x0];
	v7 =	vmax.f32 v13, v9;
	v9 =	vmin.f32 v13, v9  }
0x4c: {  	v11 =	vmax.f32 v11, v12;
	v12 =	vmax.f32 v10, v3;
	v3 =	vmin.f32 v10, v3;
	v13 =	vld [tilespmem:s9+$0x10]  }
0x4d: {  	v3 =	vmax.f32 v11, v3;
	v10 =	vmax.f32 v12, v8;
	v8 =	vmin.f32 v12, v8  }
0x4e: {  	v3 =	vmax.f32 v3, v8;
	v8 =	vmax.f32 v10, v9;
	v9 =	vmin.f32 v10, v9  }
0x4f: {  	v2 =	vmax.f32 v4, v2;
	v4 =	vmax.f32 v5, v6;
	v3 =	vmax.f32 v3, v9;
	v10 =	vld [tilespmem:s9+$0x20]  }
0x50: {  	v0 =	vadd.f32 v14, v0;
	v5 =	vmax.f32 v1, v14;
	v1 =	vmin.f32 v1, v14  }
0x51: {  	v6 =	vmax.f32 v2, v1;
	v1 =	vmin.f32 v2, v1;
	v2 =	vmax.f32 v5, v13;
	v9 =	vld [tilespmem:s9+$0x30]  }
0x52: {  	v5 =	vmin.f32 v5, v13;
	v11 =	vmax.f32 v4, v1;
	v0 =	vadd.f32 v13, v0  }
0x53: {  	v1 =	vmin.f32 v4, v1;
	v4 =	vmax.f32 v6, v5;
	v5 =	vmin.f32 v6, v5;
	v6 =	vld [tilespmem:s9+$0x40]  }
0x54: {  	v12 =	vmax.f32 v7, v1;
	v1 =	vmin.f32 v7, v1;
	v0 =	vadd.f32 v10, v0  }
0x55: {  	v13 =	vmax.f32 v11, v5;
	v5 =	vmin.f32 v11, v5;
	v7 =	vmin.f32 v8, v1;
	v11 =	vld [tilespmem:s9+$0x50]  }
0x56: {  	v3 =	vmax.f32 v3, v7;
	v7 =	vmax.f32 v12, v5;
	v0 =	vadd.f32 v9, v0;
	v14 =	vld [tilespmem:s9+$0x60]  }
0x57: {  	v1 =	vmax.f32 v8, v1;
	v8 =	vmax.f32 v2, v10;
	v2 =	vmin.f32 v2, v10  }
0x58: {  	v10 =	vmax.f32 v4, v2;
	v15 =	vmax.f32 v8, v9;
	v0 =	vadd.f32 v6, v0  }
0x59: {  	v2 =	vmin.f32 v4, v2;
	v4 =	vmin.f32 v8, v9;
	v8 =	vmax.f32 v15, v6;
	v9 =	vld [tilespmem:s9+$0x70]  }
0x5a: {  	v16 =	vmin.f32 v13, v2;
	v6 =	vmin.f32 v15, v6;
	v0 =	vadd.f32 v11, v0;
	v15 =	vld [tilespmem:s9+$0x80]  }
0x5b: {  	v17 =	vmax.f32 v10, v4;
	v18 =	vmax.f32 v8, v11;
	v8 =	vmin.f32 v8, v11  }
0x5c: {  	v5 =	vmin.f32 v12, v5;
	v2 =	vmax.f32 v13, v2;
	v0 =	vadd.f32 v14, v0  }
0x5d: {  	v11 =	vmax.f32 v1, v5;
	v1 =	vmin.f32 v1, v5;
	v5 =	vmin.f32 v18, v14;
	v12 =	vld [tilespmem:s9+$0x90]  }
0x5e: {  	v13 =	vmax.f32 v17, v6;
	v14 =	vmax.f32 v18, v14;
	v0 =	vadd.f32 v9, v0  }
0x5f: {  	v1 =	vmax.f32 v3, v1;
	v3 =	vmax.f32 v7, v16;
	v18 =	vmax.f32 v14, v9;
	v19 =	vld [tilespmem:s9+$0xA0]  }
0x60: {  	v20 =	vmin.f32 v13, v8;
	v9 =	vmin.f32 v14, v9;
	v0 =	vadd.f32 v15, v0  }
0x61: {  	v4 =	vmin.f32 v10, v4;
	v6 =	vmin.f32 v17, v6;
	v10 =	vmax.f32 v18, v15;
	v14 =	vld [tilespmem:s9+$0xB0]  }
0x62: {  	v17 =	vmax.f32 v2, v4;
	v15 =	vmin.f32 v18, v15;
	v0 =	vadd.f32 v12, v0  }
0x63: {  	v2 =	vmin.f32 v2, v4;
	v4 =	vmax.f32 v13, v8;
	v8 =	vmax.f32 v10, v12;
	v13 =	vld [tilespmem:s9+$0xC0]  }
0x64: {  	v18 =	vmax.f32 v17, v6;
	v10 =	vmin.f32 v10, v12;
	v0 =	vadd.f32 v19, v0  }
0x65: {  	v7 =	vmin.f32 v7, v16;
	v12 =	vmax.f32 v3, v2;
	v16 =	vmax.f32 v8, v19;
	v21 =	vld [tilespmem:s9+$0xD0]  }
0x66: {  	v22 =	vmin.f32 v11, v7;
	v8 =	vmin.f32 v8, v19;
	v0 =	vadd.f32 v14, v0  }
0x67: {  	v1 =	vmax.f32 v1, v22;
	v19 =	vmin.f32 v18, v20;
	v22 =	vmax.f32 v16, v14;
	v23 =	vld [tilespmem:s9+$0xE0]  }
0x68: {  	v6 =	vmin.f32 v17, v6;
	v14 =	vmin.f32 v16, v14;
	v0 =	vadd.f32 v13, v0  }
0x69: {  	v16 =	vmin.f32 v12, v6;
	v17 =	vmax.f32 v22, v13;
	v13 =	vmin.f32 v22, v13;
	v22 =	vld [tilespmem:s9+$0xF0]  }
0x6a: {  	v7 =	vmax.f32 v11, v7;
	v11 =	vmax.f32 v18, v20;
	v0 =	vadd.f32 v21, v0  }
0x6b: {  	v2 =	vmin.f32 v3, v2;
	v3 =	vmin.f32 v4, v5;
	v18 =	vmin.f32 v17, v21  }
0x6c: {  	v6 =	vmax.f32 v12, v6;
	v12 =	vmin.f32 v11, v3;
	v0 =	vadd.f32 v23, v0  }
0x6d: {  	v4 =	vmax.f32 v4, v5;
	v20 =	vmax.f32 v7, v2;
	v24 =	vmax.f32 v6, v19  }
0x6e: {  	v3 =	vmax.f32 v11, v3;
	v5 =	vmax.f32 v24, v12;
	v0 =	vadd.f32 v22, v0  }
0x6f: {  	v11 =	vmax.f32 v4, v9;
	v4 =	vmin.f32 v4, v9;
	v6 =	vmin.f32 v6, v19  }
0x70: {  	v2 =	vmin.f32 v7, v2;
	v7 =	vmin.f32 v20, v16;
	v9 =	vmax.f32 v3, v4  }
0x71: {  	v1 =	vmax.f32 v1, v2;
	v2 =	vmax.f32 v20, v16;
	v3 =	vmin.f32 v3, v4  }
0x72: {  	v16 =	vmax.f32 v11, v15;
	v11 =	vmin.f32 v11, v15;
	v4 =	vmin.f32 v2, v6  }
0x73: {  	v1 =	vmax.f32 v1, v7;
	v7 =	vmax.f32 v9, v11;
	v9 =	vmin.f32 v9, v11  }
0x74: {  	v11 =	vmin.f32 v24, v12;
	v12 =	vmax.f32 v16, v10;
	v10 =	vmin.f32 v16, v10  }
0x75: {  	v2 =	vmax.f32 v2, v6;
	v6 =	vmax.f32 v5, v3;
	v15 =	vmax.f32 v7, v10  }
0x76: {  	v16 =	vmin.f32 v2, v11;
	v7 =	vmin.f32 v7, v10;
	v10 =	vmax.f32 v12, v8  }
0x77: {  	v2 =	vmax.f32 v2, v11;
	v8 =	vmin.f32 v12, v8;
	v11 =	vmax.f32 v6, v9  }
0x78: {  	v5 =	vmin.f32 v5, v3;
	v3 =	vmax.f32 v10, v14;
	v12 =	vmin.f32 v11, v7  }
0x79: {  	v6 =	vmin.f32 v6, v9;
	v9 =	vmin.f32 v10, v14;
	v10 =	vmax.f32 v3, v13  }
0x7a: {  	v14 =	vmin.f32 v15, v8;
	v11 =	vmax.f32 v11, v7;
	v7 =	vmax.f32 v15, v8  }
0x7b: {  	v8 =	vmin.f32 v2, v5;
	v13 =	vmin.f32 v3, v13;
	v15 =	vmax.f32 v7, v9  }
0x7c: {  	v19 =	vmin.f32 v7, v9;
	v9 =	vmin.f32 v10, v18;
	v7 =	vmax.f32 v15, v13  }
0x7d: {  	v1 =	vmax.f32 v1, v4;
	v4 =	vmax.f32 v17, v21;
	v3 =	vmin.f32 v7, v9  }
0x7e: {  	v5 =	vmax.f32 v2, v5;
	v10 =	vmax.f32 v10, v18;
	v2 =	vmax.f32 v4, v23  }
0x7f: {  	v16 =	vmax.f32 v1, v16;
	v4 =	vmin.f32 v4, v23;
	v9 =	vmax.f32 v7, v9  }
0x80: {  	v17 =	vmax.f32 v11, v14;
	v1 =	vmax.f32 v2, v22;
	v2 =	vmin.f32 v2, v22  }
0x81: {  	v18 =	vmin.f32 v10, v4;
	v7 =	vmax.f32 v16, v8;
	v16 =	vmax.f32 v5, v6  }
0x82: {  	v13 =	vmin.f32 v15, v13;
	v4 =	vmax.f32 v10, v4;
	v5 =	vmin.f32 v5, v6  }
0x83: {  	v10 =	vmax.f32 v17, v19;
	v5 =	vmax.f32 v7, v5;
	v6 =	vmin.f32 v16, v12  }
0x84: {  	v7 =	vmax.f32 v10, v13;
	v15 =	vmax.f32 v5, v6;
	v5 =	vmax.f32 v9, v18  }
.Ltmp0:
0x85: {  	v8 =	vmax.f32 v7, v3;
	v9 =	vmin.f32 v9, v18;
	v6 =	vmin.f32 v4, v2;
	(pc) =	sbr.rel @p0 .LBB2_1-.Ltmp0, $4  }
0x86: {  	v11 =	vmin.f32 v11, v14;
	v14 =	vmin.f32 v17, v19;
	v12 =	vmax.f32 v16, v12  }
0x87: {  	v16 =	vmax.f32 v12, v11;
	v11 =	vmin.f32 v12, v11;
	v12 =	vmin.f32 v10, v13  }
0x88: {  	v10 =	vmax.f32 v15, v11;
	v13 =	vmax.f32 v16, v14;
	v11 =	vmin.f32 v16, v14  }
0x89: {  	v11 =	vmax.f32 v10, v11;
	v10 =	vmax.f32 v13, v12;
	v12 =	vmin.f32 v13, v12  }
0x8a: {  	v13 =	vmax.f32 v8, v9;
	v14 =	vmin.f32 v5, v6  }
0x8b: {  	v56 =	vmin.f32 v8, v9;
	v3 =	vmin.f32 v7, v3;
	v11 =	vmax.f32 v11, v12;
	[tilespmem:$0x1000] =	vst v1  }
0x8c: {  	v2 =	vmax.f32 v4, v2;
	v60 =	vmax.f32 v5, v6;
	[tilespmem:$0x1060] =	vst v0;
	v57 =	vmax.f32 v13, v14  }
0x8d: {  	v58 =	vmin.f32 v13, v14;
	v59 =	vmax.f32 v10, v3;
	v3 =	vmin.f32 v10, v3;
	[tilespmem:$0x1010] =	vst v2  }
0x8e: {  	s8 =	smul.u32 $0x1C0, s6;
	[tilespmem:$0x1020] =	vst v60;
	v61 =	vmax.f32 v11, v3;
	v62 =	vmax.f32 v59, v56;
	v1 =	vmin.f32 v59, v56  }
0x8f: {  	[tilespmem:$0x1030] =	vst v57;
	v1 =	vmax.f32 v61, v1;
	v63 =	vmax.f32 v62, v58;
	v3 =	vmin.f32 v62, v58  }
0x90: {  	s8 =	sshrl.u32 s8, $0x2;
	v1 =	vmax.f32 v1, v3;
	[tilespmem:$0x1040] =	vst v63  }
0x91: {  	s9 =	simm.s32 $0x1000;
	s8 =	sadd.s32 s8, s4;
	[tilespmem:$0x1050] =	vst v1  }
0x92: {  	[spmem:s8] =	stream.linear.scatter [tilespmem:s9], [sflag:$0x1], $0x70, $0x38;
	[tilespmem:$0x12E8] =	vst v63  }
0x93: {  	p1 =	seq.s32 s7, $0x0;
	s8 =	simm.s32 $0x1  }
.Ltmp1:
0x94: {  	_ =	swait.ge [sflag:s8], $0x70;
	(pc) =	sbr.rel @p1 .LBB2_4-.Ltmp1, $4  }
0x95: {  	[sflag:s8] =	ssyncset.done $0x0  }
0x96: {  	[sflag:s8] =	ssyncadd.s32 $0xFFFFFF90  }
0x97: {  	[bflag:$0x0] =	sbarrier.arrive $0xFFFF  }
0x98: {  	p0 =	sne.s32 s6, $0x0  }
.Ltmp2:
0x99: {  	(pc) =	sbr.rel .LBB2_6-.Ltmp2, $2  }
0x9a: {  	_ =	sdelay $0x1  }
0x9b: {  	[bflag:$0x0] =	sbarrier.arrive $0xFFFF;
	_ =	sdelay $0x1  }
.LBB2_4:
0x9c: {  	s5 =	smul.u32 $0x700, s5;
	_ =	sdelay $0x1  }
0x9d: {  	s5 =	sshrl.u32 s5, $0x2  }
0x9e: {  	s31 =	simm.s32 $0x1070;
	s4 =	sadd.s32 s5, s4  }
0x9f: {  	[tilespmem:s31], [sflag:$0x1] =	stream.linear.gather [spmem:s4], $0x1C0, $0x38;
	[tilespmem:$0x12E8] =	vst v63  }
0xa0: {  	_ =	swait.ge [sflag:s8], $0x1C0  }
0xa1: {  	[sflag:s8] =	ssyncset.done $0x0  }
0xa2: {  	[sflag:s8] =	ssyncadd.s32 $0xFFFFFE40  }
0xa3: {  	v0 =	vld [tilespmem:$0x1070]  }
0xa4: {  	v1 =	vld [tilespmem:$0x1080];
	_ =	sdelay $0x1  }
0xa5: {  	v2 =	vld [tilespmem:$0x1090];
	_ =	sdelay $0x1  }
0xa6: {  	v4 =	vld [tilespmem:$0x10A0];
	v3 =	vmax.f32 v0, $-1.000000020e+30;
	v0 =	vmin.f32 v0, $-1.000000020e+30  }
0xa7: {  	v0 =	vmax.f32 v0, $-1.000000020e+30;
	v5 =	vmax.f32 v3, v1;
	v1 =	vmin.f32 v3, v1  }
0xa8: {  	v7 =	vld [tilespmem:$0x10B0];
	v3 =	vmax.f32 v0, v1  }
0xa9: {  	v1 =	vmin.f32 v0, v1;
	v6 =	vmin.f32 v5, v2;
	v2 =	vmax.f32 v5, v2  }
0xaa: {  	v45 =	vld [tilespmem:$0x10C0];
	v0 =	vmax.f32 v0, v1;
	v41 =	vmin.f32 v3, v6;
	v3 =	vmax.f32 v3, v6  }
0xab: {  	v43 =	vmin.f32 v2, v4;
	v2 =	vmax.f32 v2, v4;
	v42 =	vmin.f32 v0, v41  }
0xac: {  	v1 =	vmax.f32 v0, v41;
	v44 =	vmax.f32 v3, v43;
	v3 =	vmin.f32 v3, v43  }
0xad: {  	v47 =	vmin.f32 v2, v7;
	v48 =	vmax.f32 v2, v7;
	v0 =	vmax.f32 v0, v42  }
0xae: {  	v46 =	vmax.f32 v1, v3;
	v1 =	vmin.f32 v1, v3;
	v9 =	vmin.f32 v44, v47  }
0xaf: {  	v3 =	vmax.f32 v44, v47;
	v54 =	vmin.f32 v48, v45;
	v8 =	vmax.f32 v0, v1  }
0xb0: {  	v52 =	vld [tilespmem:$0x10E0];
	v1 =	vmin.f32 v0, v1;
	v49 =	vmin.f32 v46, v9;
	v50 =	vmax.f32 v46, v9  }
0xb1: {  	v55 =	vmin.f32 v3, v54;
	v3 =	vmax.f32 v3, v54;
	v0 =	vmax.f32 v0, v1  }
0xb2: {  	v57 =	vld [tilespmem:$0x10F0];
	v51 =	vmin.f32 v8, v49;
	v2 =	vmax.f32 v8, v49;
	v1 =	vmax.f32 v48, v45  }
0xb3: {  	v56 =	vmin.f32 v50, v55;
	v4 =	vmax.f32 v50, v55;
	v53 =	vmin.f32 v0, v51  }
0xb4: {  	v62 =	vld [tilespmem:$0x1100];
	v6 =	vmax.f32 v0, v51;
	v58 =	vmax.f32 v2, v56;
	v2 =	vmin.f32 v2, v56  }
0xb5: {  	v59 =	vmin.f32 v1, v52;
	v1 =	vmax.f32 v1, v52;
	v0 =	vmax.f32 v0, v53  }
0xb6: {  	v5 =	vmax.f32 v6, v2;
	v2 =	vmin.f32 v6, v2;
	v60 =	vmin.f32 v3, v59  }
0xb7: {  	v16 =	vld [tilespmem:$0x1110];
	v3 =	vmax.f32 v3, v59;
	v12 =	vmin.f32 v1, v57;
	v1 =	vmax.f32 v1, v57  }
0xb8: {  	v0 =	vmax.f32 v0, v2;
	v61 =	vmax.f32 v4, v60;
	v2 =	vmin.f32 v4, v60  }
0xb9: {  	v20 =	vld [tilespmem:$0x1120];
	v13 =	vmin.f32 v3, v12;
	v3 =	vmax.f32 v3, v12;
	v9 =	vmin.f32 v1, v62  }
0xba: {  	v1 =	vmax.f32 v1, v62;
	v63 =	vmax.f32 v58, v2;
	v2 =	vmin.f32 v58, v2  }
0xbb: {  	v14 =	vmin.f32 v61, v13;
	v18 =	vmin.f32 v3, v9;
	v3 =	vmax.f32 v3, v9  }
0xbc: {  	v22 =	vmin.f32 v1, v16;
	v1 =	vmax.f32 v1, v16;
	v10 =	vmax.f32 v5, v2  }
0xbd: {  	v25 =	vld [tilespmem:$0x1130];
	v2 =	vmin.f32 v5, v2;
	v5 =	vmax.f32 v61, v13;
	v15 =	vmin.f32 v63, v14  }
0xbe: {  	v23 =	vmin.f32 v3, v22;
	v3 =	vmax.f32 v3, v22;
	v27 =	vmin.f32 v1, v20  }
0xbf: {  	v32 =	vld [tilespmem:$0x1150];
	v1 =	vmax.f32 v1, v20;
	v0 =	vmax.f32 v0, v2;
	v2 =	vmax.f32 v63, v14  }
0xc0: {  	v17 =	vmin.f32 v10, v15;
	v6 =	vmax.f32 v10, v15;
	v19 =	vmin.f32 v5, v18  }
0xc1: {  	v5 =	vmax.f32 v5, v18;
	v29 =	vmin.f32 v3, v27;
	v3 =	vmax.f32 v3, v27  }
0xc2: {  	v36 =	vld [tilespmem:$0x1160];
	v9 =	vmin.f32 v1, v25;
	v1 =	vmax.f32 v1, v25;
	v0 =	vmax.f32 v0, v17  }
0xc3: {  	v21 =	vmax.f32 v2, v19;
	v2 =	vmin.f32 v2, v19;
	v24 =	vmax.f32 v5, v23  }
0xc4: {  	v41 =	vld [tilespmem:$0x1170];
	v34 =	vmin.f32 v3, v9;
	v3 =	vmax.f32 v3, v9;
	v38 =	vmin.f32 v1, v32  }
0xc5: {  	v1 =	vmax.f32 v1, v32;
	v4 =	vmax.f32 v6, v2;
	v2 =	vmin.f32 v6, v2  }
0xc6: {  	v48 =	vld [tilespmem:$0x1180];
	v30 =	vmin.f32 v24, v29;
	v39 =	vmin.f32 v3, v38;
	v3 =	vmax.f32 v3, v38  }
0xc7: {  	v43 =	vmin.f32 v1, v36;
	v1 =	vmax.f32 v1, v36;
	v0 =	vmax.f32 v0, v2  }
0xc8: {  	v52 =	vld [tilespmem:$0x1190];
	v2 =	vmin.f32 v5, v23;
	v45 =	vmin.f32 v3, v43;
	v3 =	vmax.f32 v3, v43  }
0xc9: {  	v9 =	vmin.f32 v1, v41;
	v1 =	vmax.f32 v1, v41;
	v26 =	vmax.f32 v21, v2  }
0xca: {  	v2 =	vmin.f32 v21, v2;
	v50 =	vmin.f32 v3, v9;
	v3 =	vmax.f32 v3, v9  }
0xcb: {  	v54 =	vmin.f32 v1, v48;
	v1 =	vmax.f32 v1, v48;
	v28 =	vmax.f32 v4, v2  }
0xcc: {  	v57 =	vld [tilespmem:$0x11A0];
	v2 =	vmin.f32 v4, v2;
	v4 =	vmax.f32 v24, v29;
	v31 =	vmin.f32 v26, v30  }
0xcd: {  	v55 =	vmin.f32 v3, v54;
	v3 =	vmax.f32 v3, v54;
	v59 =	vmin.f32 v1, v52  }
0xce: {  	v12 =	vld [tilespmem:$0x11C0];
	v1 =	vmax.f32 v1, v52;
	v0 =	vmax.f32 v0, v2;
	v2 =	vmax.f32 v26, v30  }
0xcf: {  	v33 =	vmin.f32 v28, v31;
	v6 =	vmax.f32 v28, v31;
	v35 =	vmin.f32 v4, v34  }
0xd0: {  	v4 =	vmax.f32 v4, v34;
	v61 =	vmin.f32 v3, v59;
	v3 =	vmax.f32 v3, v59  }
0xd1: {  	v16 =	vld [tilespmem:$0x11D0];
	v9 =	vmin.f32 v1, v57;
	v1 =	vmax.f32 v1, v57;
	v0 =	vmax.f32 v0, v33  }
0xd2: {  	v37 =	vmax.f32 v2, v35;
	v2 =	vmin.f32 v2, v35;
	v40 =	vmax.f32 v4, v39  }
0xd3: {  	v21 =	vld [tilespmem:$0x11E0];
	v14 =	vmin.f32 v3, v9;
	v3 =	vmax.f32 v3, v9;
	v18 =	vmin.f32 v1, v12  }
0xd4: {  	v1 =	vmax.f32 v1, v12;
	v5 =	vmax.f32 v6, v2;
	v2 =	vmin.f32 v6, v2  }
0xd5: {  	v27 =	vld [tilespmem:$0x11F0];
	v46 =	vmin.f32 v40, v45;
	v19 =	vmin.f32 v3, v18;
	v3 =	vmax.f32 v3, v18  }
0xd6: {  	v23 =	vmin.f32 v1, v16;
	v1 =	vmax.f32 v1, v16;
	v0 =	vmax.f32 v0, v2  }
0xd7: {  	v2 =	vmin.f32 v4, v39;
	v25 =	vmin.f32 v3, v23;
	v3 =	vmax.f32 v3, v23  }
0xd8: {  	v30 =	vmin.f32 v1, v21;
	v1 =	vmax.f32 v1, v21;
	v42 =	vmax.f32 v37, v2  }
0xd9: {  	v35 =	vld [tilespmem:$0x1200];
	v2 =	vmin.f32 v37, v2;
	v31 =	vmin.f32 v3, v30;
	v3 =	vmax.f32 v3, v30  }
0xda: {  	v34 =	vmin.f32 v1, v27;
	v1 =	vmax.f32 v1, v27;
	v44 =	vmax.f32 v5, v2  }
0xdb: {  	v2 =	vmin.f32 v5, v2;
	v5 =	vmax.f32 v40, v45;
	v47 =	vmin.f32 v42, v46  }
0xdc: {  	v38 =	vld [tilespmem:$0x1210];
	v11 =	vmin.f32 v3, v34;
	v3 =	vmax.f32 v3, v34;
	v0 =	vmax.f32 v0, v2  }
0xdd: {  	v2 =	vmax.f32 v42, v46;
	v49 =	vmin.f32 v44, v47;
	v6 =	vmax.f32 v44, v47  }
0xde: {  	v51 =	vmin.f32 v5, v50;
	v5 =	vmax.f32 v5, v50;
	v41 =	vmin.f32 v1, v35  }
0xdf: {  	v1 =	vmax.f32 v1, v35;
	v0 =	vmax.f32 v0, v49;
	v53 =	vmax.f32 v2, v51  }
0xe0: {  	v2 =	vmin.f32 v2, v51;
	v56 =	vmax.f32 v5, v55;
	v42 =	vmax.f32 v3, v41  }
0xe1: {  	v3 =	vmin.f32 v3, v41;
	v43 =	vmin.f32 v1, v38;
	v1 =	vmax.f32 v1, v38  }
0xe2: {  	v4 =	vmax.f32 v6, v2;
	v2 =	vmin.f32 v6, v2;
	v62 =	vmin.f32 v56, v61  }
0xe3: {  	v46 =	vmin.f32 v42, v43;
	v0 =	vmax.f32 v0, v2;
	v2 =	vmin.f32 v5, v55  }
0xe4: {  	v1 =	vadd.f32 v1, v1;
	v58 =	vmax.f32 v53, v2;
	v2 =	vmin.f32 v53, v2  }
0xe5: {  	v60 =	vmax.f32 v4, v2;
	v2 =	vmin.f32 v4, v2;
	v4 =	vmax.f32 v56, v61  }
0xe6: {  	v63 =	vmin.f32 v58, v62;
	v0 =	vmax.f32 v0, v2;
	v2 =	vmax.f32 v58, v62  }
0xe7: {  	v13 =	vmin.f32 v60, v63;
	v6 =	vmax.f32 v60, v63;
	v15 =	vmin.f32 v4, v14  }
0xe8: {  	v4 =	vmax.f32 v4, v14;
	v17 =	vmax.f32 v2, v15;
	v2 =	vmin.f32 v2, v15  }
0xe9: {  	v0 =	vmax.f32 v0, v13;
	v5 =	vmax.f32 v6, v2;
	v2 =	vmin.f32 v6, v2  }
0xea: {  	v20 =	vmax.f32 v4, v19;
	v0 =	vmax.f32 v0, v2;
	v2 =	vmin.f32 v4, v19  }
0xeb: {  	v26 =	vmin.f32 v20, v25;
	v22 =	vmax.f32 v17, v2;
	v2 =	vmin.f32 v17, v2  }
0xec: {  	v24 =	vmax.f32 v5, v2;
	v2 =	vmin.f32 v5, v2;
	v5 =	vmax.f32 v20, v25  }
0xed: {  	v28 =	vmin.f32 v22, v26;
	v0 =	vmax.f32 v0, v2;
	v2 =	vmax.f32 v22, v26  }
0xee: {  	v29 =	vmin.f32 v24, v28;
	v6 =	vmax.f32 v24, v28;
	v32 =	vmin.f32 v5, v31  }
0xef: {  	v5 =	vmax.f32 v5, v31;
	v0 =	vmax.f32 v0, v29;
	v33 =	vmin.f32 v2, v32  }
0xf0: {  	v2 =	vmax.f32 v2, v32;
	v37 =	vmin.f32 v5, v11;
	v5 =	vmax.f32 v5, v11  }
0xf1: {  	v36 =	vmin.f32 v6, v33;
	v6 =	vmax.f32 v6, v33;
	v39 =	vmin.f32 v2, v37  }
0xf2: {  	v2 =	vmax.f32 v2, v37;
	v4 =	vmax.f32 v5, v3;
	v3 =	vmin.f32 v5, v3  }
0xf3: {  	v44 =	vld [tilespmem:$0x10D0];
	v5 =	vmax.f32 v42, v43;
	v0 =	vmax.f32 v0, v36;
	v40 =	vmin.f32 v6, v39  }
0xf4: {  	v6 =	vmax.f32 v6, v39;
	v45 =	vmax.f32 v2, v3;
	v2 =	vmin.f32 v2, v3  }
0xf5: {  	v48 =	vmin.f32 v4, v46;
	v5 =	vadd.f32 v5, v5;
	v0 =	vmax.f32 v0, v40  }
0xf6: {  	v47 =	vmax.f32 v6, v2;
	v2 =	vmin.f32 v6, v2;
	v49 =	vmin.f32 v45, v48  }
0xf7: {  	v3 =	vmax.f32 v4, v46;
	v0 =	vmax.f32 v0, v2;
	v50 =	vmin.f32 v47, v49  }
0xf8: {  	v51 =	vadd.f32 $0.0e+00, v44;
	v3 =	vadd.f32 v3, v3;
	v0 =	vmax.f32 v0, v50  }
0xf9: {  	v52 =	vmax.f32 v45, v48;
	v1 =	vsub.f32 v1, v0;
	v5 =	vsub.f32 v5, v0  }
0xfa: {  	v4 =	vadd.f32 v52, v52;
	v3 =	vsub.f32 v3, v0  }
0xfb: {  	v53 =	vld [tilespmem:$0x1140];
	v2 =	vmax.f32 v47, v49;
	v1 =	vadd.f32 $-1.000000000e+00, v1;
	v5 =	vadd.f32 $-1.000000000e+00, v5  }
0xfc: {  	v2 =	vadd.f32 v2, v2;
	v4 =	vsub.f32 v4, v0  }
0xfd: {  	v54 =	vld [tilespmem:$0x11B0];
	v3 =	vadd.f32 $-1.000000000e+00, v3;
	v1 =	vmax.f32 v1, $0.0e+00;
	v5 =	vmax.f32 v5, $0.0e+00  }
0xfe: {  	v56 =	vadd.f32 v0, v0;
	v1 =	vadd.f32 v5, v1  }
0xff: {  	v55 =	vld [tilespmem:$0x1220];
	v2 =	vsub.f32 v2, v0;
	v4 =	vadd.f32 $-1.000000000e+00, v4;
	v3 =	vmax.f32 v3, $0.0e+00  }
0x100: {  	v6 =	vadd.f32 v53, v51;
	v1 =	vadd.f32 v1, v3  }
0x101: {  	v58 =	vsub.f32 v56, v0;
	v2 =	vadd.f32 $-1.000000000e+00, v2;
	v57 =	vmax.f32 v4, $0.0e+00  }
0x102: {  	v6 =	vadd.f32 v54, v6;
	v1 =	vadd.f32 v1, v57  }
0x103: {  	v59 =	vadd.f32 $-1.000000000e+00, v58;
	v2 =	vmax.f32 v2, $0.0e+00  }
0x104: {  	v60 =	vadd.f32 v55, v6;
	v1 =	vadd.f32 v1, v2  }
0x105: {  	v61 =	vmax.f32 v59, $0.0e+00  }
0x106: {  	v62 =	vadd.f32 v60, v60;
	v1 =	vadd.f32 v1, v61;
	_ =	sdelay $0x1  }
0x107: {  	v63 =	vmul.f32 $1.024000000e+03, v0;
	v1 =	vsub.f32 v62, v1  }
0x108: {  	v0 =	vmax.f32 v0, $0.0e+00  }
0x109: {  	v0 =	vmul.f32 $1.024000000e+03, v0;
	v1 =	vsub.f32 v1, v63;
	_ =	sdelay $0x1  }
0x10a: {  	v0 =	vsub.f32 v1, v0;
	_ =	sdelay $0x1  }
0x10b: {  	(xrf2) =	vadd.scan.msk.f32 $0xffff, v0;
	_ =	sdelay $0x9  }
0x10c: {  	v0, _, _ =	vpop (xrf2)  }
0x10d: {  	v0 =	vbroadcast v0, $0xF;
	_ =	sdelay $0x1  }
0x10e: {  	s3 =	sadd.s32 s3, s2;
	[tilespmem:$0x1000] =	vst v0  }
0x10f: {  	[spmem:s3] =	stream.linear.scatter [tilespmem:s9], [sflag:$0x1], $0x10, $0x38;
	[tilespmem:$0x12E8] =	vst v63  }
0x110: {  	_ =	swait.ge [sflag:s8], $0x10  }
0x111: {  	[sflag:s8] =	ssyncset.done $0x0  }
0x112: {  	[sflag:s8] =	ssyncadd.s32 $0xFFFFFFF0  }
0x113: {  	[bflag:$0x0] =	sbarrier.arrive $0xFFFF  }
0x114: {  	_ =	sfence.sel @p0 $0x180000  }
0x115: {  	[bflag:$0x0] =	sbarrier.arrive @p0 $0xFFFF  }
0x116: {  	_ =	strace @p0 $0x90000047  }
0x117: {  	[bflag:$0x2] =	sbarrier.arrive @p0 $0xFFFF  }
0x118: {  	_ =	shalt @p0  }
.LBB2_5:
0x119: {  	s3 =	simm.s32 $0x1230;
	s30 =	simm.s32 $0x1  }
0x11a: {  	[tilespmem:s3], [sflag:$0x1] =	stream.linear.gather [spmem:s2], $0x40, $0x38;
	[tilespmem:$0x12E8] =	vst v63  }
0x11b: {  	_ =	swait.ge [sflag:s30], $0x40  }
0x11c: {  	[sflag:s30] =	ssyncset.done $0x0  }
0x11d: {  	[sflag:s30] =	ssyncadd.s32 $0xFFFFFFC0  }
0x11e: {  	v0 =	vld [tilespmem:$0x1230]  }
0x11f: {  	v1 =	vld [tilespmem:$0x1240];
	_ =	sdelay $0x1  }
0x120: {  	v2 =	vld [tilespmem:$0x1250];
	_ =	sdelay $0x1  }
0x121: {  	v3 =	vld [tilespmem:$0x1260]  }
0x122: {  	v0 =	vadd.f32 v1, v0;
	_ =	sdelay $0x1  }
0x123: {  	v0 =	vadd.f32 v2, v0;
	_ =	sdelay $0x1  }
0x124: {  	v0 =	vadd.f32 v3, v0;
	_ =	sdelay $0x1  }
0x125: {  	v0 =	vmul.f32 $9.765625000e-04, v0;
	_ =	sdelay $0x1  }
0x126: {  	v0 =	vadd.f32 $1.524493220e+01, v0;
	_ =	sdelay $0x1  }
0x127: {  	s31 =	simm.s32 $0x0;
	s4 =	simm.s32 $0x1000;
	[tilespmem:$0x1000] =	vst v0  }
0x128: {  	[hbm4b:s1+s31] =	stream.linear.scatter [tilespmem:s4], [sflag:$0x1], $0x10, $0x38;
	[tilespmem:$0x12E8] =	vst v63  }
0x129: {  	_ =	swait.ge [sflag:s30], $0x10  }
0x12a: {  	[sflag:s30] =	ssyncset.done $0x0  }
0x12b: {  	[sflag:s30] =	ssyncadd.s32 $0xFFFFFFF0  }
.LBB2_6:
0x12c: {  	_ =	sfence.sel $0x180000  }
0x12d: {  	[bflag:$0x0] =	sbarrier.arrive $0xFFFF  }
0x12e: {  	_ =	strace $0x90000047  }
0x12f: {  	s0 =	sadd.s32 @!p0 $0x100000, s0;
	[bflag:$0x2] =	sbarrier.arrive $0xFFFF  }
0x130: {  	[sflag:s0] =	ssyncadd.tile.s32 @!p0 $0x1;
	_ =	shalt  }
.Lfunc_end2:
_tile_overlayer_lowered:
.L_overlay_start_2:
0x131: {  	(tag) =	ssettag $0x2  }
0x132: {  	s0 =	rddreg [dreg:$0x0];
	s2 =	stileid.u32  }
0x133: {  	s1 =	rddreg [dreg:$0x1];
	p0 =	sne.s32 s2, $0x0  }
0x134: {  	s3 =	rddreg [dreg:$0x2];
	[bflag:$0x3] =	sbarrier.arrive $0xFFFF;
	s2 =	simm.s32 @!p0 $0x1C01  }
0x135: {  	[timem:s3], [sflag:s2] =	dma.local @!p0 [hbm:s0], s1  }
0x136: {  	s0 =	simm.s32 @!p0 $0x1  }
0x137: {  	_ =	swait.ge @!p0 [sflag:s0], s1  }
0x138: {  	s1 =	ssub.s32 @!p0 $0x0, s1;
	[sflag:s0] =	ssyncset.done @!p0 $0x0  }
0x139: {  	[sflag:s0] =	ssyncadd.s32 @!p0 s1  }
0x13a: {  	[bflag:$0x3] =	sbarrier.arrive $0xFFFF  }
0x13b: {  	_ =	shalt  }

</sc_bundles>
